<compile_context>
chip_gen: v7x
topology: tpu7x:2x2x1
jax: 0.10.2.dev20260603
libtpu: 0.0.44.dev20260713+nightly
codegen_flags: <defaults>
</compile_context>

<pallas_src>
import functools

import jax
import jax.numpy as jnp
from jax import lax
from jax.experimental import pallas as pl
from jax.experimental.pallas import tpu as pltpu
from jax.experimental.pallas import tpu_sc as plsc

B = 16384
SD = 16
ED = 64
IN_DIM = SD + 3 * ED
H1 = 512
H2 = 256
H3 = 128
NCLS = 5
EPS = 1e-5

NW = 32
BPW = B // NW
CHUNK = 128
NCHUNK = BPW // CHUNK

TB = 1024
NT = B // TB

XW = 256


def _sc_gather(sensor_data, pid2, rid2, aid2, E_p, E_r, E_a):
    mesh = plsc.VectorSubcoreMesh(core_axis_name="c", subcore_axis_name="s")

    @functools.partial(
        pl.kernel,
        mesh=mesh,
        out_type=jax.ShapeDtypeStruct((B, XW), jnp.float32),
        scratch_types=[
            pltpu.VMEM((NCHUNK, CHUNK), jnp.int32),
            pltpu.VMEM((NCHUNK, CHUNK), jnp.int32),
            pltpu.VMEM((NCHUNK, CHUNK), jnp.int32),
            pltpu.VMEM((BPW, ED), jnp.float32),
            pltpu.VMEM((BPW, ED), jnp.float32),
            pltpu.VMEM((BPW, ED), jnp.float32),
            pltpu.VMEM((BPW, SD), jnp.float32),
            pltpu.SemaphoreType.DMA,
        ],
        compiler_params=pltpu.CompilerParams(use_tc_tiling_on_sc=False),
    )
    def k(sensor_h, pid_h, rid_h, aid_h, ep_h, er_h, ea_h, x_h,
          pidx, ridx, aidx, prow, rrow, arow, srow, sem):
        wid = lax.axis_index("s") * 2 + lax.axis_index("c")
        base = wid * BPW
        cbase = wid * NCHUNK
        pltpu.sync_copy(pid_h.at[pl.ds(cbase, NCHUNK)], pidx)
        pltpu.sync_copy(rid_h.at[pl.ds(cbase, NCHUNK)], ridx)
        pltpu.sync_copy(aid_h.at[pl.ds(cbase, NCHUNK)], aidx)
        pltpu.sync_copy(sensor_h.at[pl.ds(base, BPW)], srow)
        copies = []
        for idx, tab, rows in ((pidx, ep_h, prow), (ridx, er_h, rrow),
                               (aidx, ea_h, arow)):
            for c in range(NCHUNK):
                copies.append(pltpu.async_copy(
                    tab.at[idx.at[c]], rows.at[pl.ds(c * CHUNK, CHUNK)], sem))
        for cp in copies:
            cp.wait()
        pltpu.sync_copy(srow, x_h.at[pl.ds(base, BPW), pl.ds(0, SD)])
        pltpu.sync_copy(prow, x_h.at[pl.ds(base, BPW), pl.ds(SD, ED)])
        pltpu.sync_copy(rrow, x_h.at[pl.ds(base, BPW), pl.ds(SD + ED, ED)])
        pltpu.sync_copy(arow, x_h.at[pl.ds(base, BPW), pl.ds(SD + 2 * ED, ED)])

    return k(sensor_data, pid2, rid2, aid2, E_p, E_r, E_a)


def _mlp_body(x_hbm, w1_ref, b1_ref, g1_ref, be1_ref,
              w2_ref, b2_ref, g2_ref, be2_ref, w3_ref, b3_ref, w4_ref, b4_ref,
              out_ref, s1, s2, h2s, xbuf, sems):
    p = pl.program_id(0)
    t = pl.program_id(1)
    inv_b = 1.0 / B
    step = p * NT + t

    def issue(nstep):
        sl = lax.rem(nstep, 2)
        nt_ = lax.rem(nstep, NT)

        @pl.when(nstep < 2 * NT)
        def _():
            pltpu.make_async_copy(
                x_hbm.at[pl.ds(nt_ * TB, TB)], xbuf.at[sl],
                sems.at[sl]).start()

    @pl.when(step == 0)
    def _():
        issue(step)

    issue(step + 1)

    def layer1():
        sl = lax.rem(step, 2)
        pltpu.make_async_copy(
            x_hbm.at[pl.ds(t * TB, TB)], xbuf.at[sl], sems.at[sl]).wait()
        xv = xbuf[sl]
        h = jnp.dot(xv[:, :IN_DIM].astype(jnp.bfloat16), w1_ref[...],
                    preferred_element_type=jnp.float32) + b1_ref[...]
        return jnp.maximum(h, 0.0)

    @pl.when(jnp.logical_and(p == 0, t == 0))
    def _():
        s1[...] = jnp.zeros_like(s1)

    @pl.when(p == 0)
    def _():
        h1 = layer1()
        s1[0:1, :] += jnp.sum(h1, axis=0, keepdims=True)
        s1[1:2, :] += jnp.sum(h1 * h1, axis=0, keepdims=True)

    @pl.when(jnp.logical_and(p == 1, t == 0))
    def _():
        s2[...] = jnp.zeros_like(s2)

    @pl.when(p == 1)
    def _():
        h1 = layer1()
        mean = s1[0:1, :] * inv_b
        var = s1[1:2, :] * inv_b - mean * mean
        scale = g1_ref[...] * lax.rsqrt(var + EPS)
        shift = be1_ref[...] - mean * scale
        h1 = h1 * scale + shift
        h2 = jnp.maximum(
            jnp.dot(h1.astype(jnp.bfloat16), w2_ref[...],
                    preferred_element_type=jnp.float32)
            + b2_ref[...], 0.0)
        h2s[pl.ds(t * TB, TB), :] = h2
        s2[0:1, :] += jnp.sum(h2, axis=0, keepdims=True)
        s2[1:2, :] += jnp.sum(h2 * h2, axis=0, keepdims=True)

    @pl.when(p == 2)
    def _():
        h2 = h2s[pl.ds(t * TB, TB), :]
        mean = s2[0:1, :] * inv_b
        var = s2[1:2, :] * inv_b - mean * mean
        scale = g2_ref[...] * lax.rsqrt(var + EPS)
        shift = be2_ref[...] - mean * scale
        h2 = h2 * scale + shift
        h3 = jnp.maximum(
            jnp.dot(h2.astype(jnp.bfloat16), w3_ref[...],
                    preferred_element_type=jnp.float32)
            + b3_ref[...], 0.0)
        out_ref[...] = (
            jnp.dot(h3.astype(jnp.bfloat16), w4_ref[...],
                    preferred_element_type=jnp.float32)
            + b4_ref[...])


def _mlp(x, W1, b1, g1, be1, W2, b2, g2, be2, W3, b3, W4, b4):
    def const(p, t):
        return (0, 0)

    full = lambda arr: pl.BlockSpec(arr.shape, const)
    return pl.pallas_call(
        _mlp_body,
        grid=(3, NT),
        in_specs=[
            pl.BlockSpec(memory_space=pl.ANY),
            full(W1), full(b1), full(g1), full(be1),
            full(W2), full(b2), full(g2), full(be2),
            full(W3), full(b3), full(W4), full(b4),
        ],
        out_specs=pl.BlockSpec((TB, H3), lambda p, t: (t, 0)),
        out_shape=jax.ShapeDtypeStruct((B, H3), jnp.float32),
        scratch_shapes=[
            pltpu.VMEM((2, H1), jnp.float32),
            pltpu.VMEM((2, H2), jnp.float32),
            pltpu.VMEM((B, H2), jnp.float32),
            pltpu.VMEM((2, TB, XW), jnp.float32),
            pltpu.SemaphoreType.DMA((2,)),
        ],
    )(x, W1, b1, g1, be1, W2, b2, g2, be2, W3, b3, W4, b4)


def kernel(sensor_data, product_ids, recipe_ids, asset_ids, E_p, E_r, E_a,
           W1, b1, g1, be1, W2, b2, g2, be2, W3, b3, W4, b4):
    pid2 = product_ids.astype(jnp.int32).reshape(NW * NCHUNK, CHUNK)
    rid2 = recipe_ids.astype(jnp.int32).reshape(NW * NCHUNK, CHUNK)
    aid2 = asset_ids.astype(jnp.int32).reshape(NW * NCHUNK, CHUNK)
    x = _sc_gather(sensor_data, pid2, rid2, aid2, E_p, E_r, E_a)
    pad4 = jnp.zeros((H3 - NCLS,), dtype=jnp.float32)
    w4p = jnp.pad(W4, ((0, 0), (0, H3 - NCLS)))
    logits = _mlp(
        x, W1.astype(jnp.bfloat16),
        b1.reshape(1, H1), g1.reshape(1, H1), be1.reshape(1, H1),
        W2.astype(jnp.bfloat16), b2.reshape(1, H2), g2.reshape(1, H2),
        be2.reshape(1, H2), W3.astype(jnp.bfloat16), b3.reshape(1, H3),
        w4p.astype(jnp.bfloat16),
        jnp.concatenate([b4, pad4]).reshape(1, H3))
    return logits[:, :NCLS]

# --- scband reference (transcript-rebuilt; emitter-appended) ---
"""Pipeline reference for scband-context-edge-model-69526930588088 (READ-ONLY COPY).

The authoritative reference and input builder live on the scoring server;
editing this copy changes nothing except your own understanding.
"""

import jax, jax.numpy as jnp
import numpy as np


def _bn(h, gamma, beta, eps=1e-5):
    mean = jnp.mean(h, axis=0)
    var = jnp.var(h, axis=0)
    return (h - mean) / jnp.sqrt(var + eps) * gamma + beta


def setup_inputs(seed: int = 0):
    key = jax.random.key(seed)
    ks = jax.random.split(key, 12)
    B = 16384
    sensor_dim = 16
    ed = 64
    hd = 512
    nc = 5
    in_dim = sensor_dim + 3 * ed
    inp = {}
    inp["sensor_data"] = jax.random.normal(ks[0], (B, sensor_dim), dtype=jnp.float32)
    inp["product_ids"] = jax.random.randint(ks[1], (B,), 0, 100000)
    inp["recipe_ids"] = jax.random.randint(ks[2], (B,), 0, 1000)
    inp["asset_ids"] = jax.random.randint(ks[3], (B,), 0, 100000)
    inp["E_p"] = jax.random.normal(ks[4], (100000, ed), dtype=jnp.float32)
    inp["E_r"] = jax.random.normal(ks[5], (1000, ed), dtype=jnp.float32)
    inp["E_a"] = jax.random.normal(ks[6], (100000, ed), dtype=jnp.float32)
    inp["W1"] = jax.random.normal(ks[7], (in_dim, hd), dtype=jnp.float32) / np.sqrt(in_dim)
    inp["b1"] = jnp.zeros((hd,), dtype=jnp.float32)
    inp["g1"] = jnp.ones((hd,), dtype=jnp.float32)
    inp["be1"] = jnp.zeros((hd,), dtype=jnp.float32)
    inp["W2"] = jax.random.normal(ks[8], (hd, hd // 2), dtype=jnp.float32) / np.sqrt(hd)
    inp["b2"] = jnp.zeros((hd // 2,), dtype=jnp.float32)
    inp["g2"] = jnp.ones((hd // 2,), dtype=jnp.float32)
    inp["be2"] = jnp.zeros((hd // 2,), dtype=jnp.float32)
    inp["W3"] = jax.random.normal(ks[9], (hd // 2, hd // 4), dtype=jnp.float32) / np.sqrt(hd // 2)
    inp["b3"] = jnp.zeros((hd // 4,), dtype=jnp.float32)
    inp["W4"] = jax.random.normal(ks[10], (hd // 4, nc), dtype=jnp.float32) / np.sqrt(hd // 4)
    inp["b4"] = jnp.zeros((nc,), dtype=jnp.float32)
    return inp


def reference(sensor_data, product_ids, recipe_ids, asset_ids, E_p, E_r, E_a, W1, b1, g1, be1, W2, b2, g2, be2, W3, b3, W4, b4):
    pe = jnp.take(E_p, product_ids, axis=0)
    re_ = jnp.take(E_r, recipe_ids, axis=0)
    ae = jnp.take(E_a, asset_ids, axis=0)
    x = jnp.concatenate([sensor_data, pe, re_, ae], axis=1)
    h = jnp.maximum(x @ W1 + b1, 0.0)
    h = _bn(h, g1, be1)
    h = jnp.maximum(h @ W2 + b2, 0.0)
    h = _bn(h, g2, be2)
    h = jnp.maximum(h @ W3 + b3, 0.0)
    logits = h @ W4 + b4
    return logits

if __name__ == "__main__":
    import jax
    _d = setup_inputs()
    print(jax.jit(kernel)(*tuple(_d.values())))

</pallas_src>

<mosaic_0001>
#map = affine_map<(d0, d1) -> (0, 0)>
module attributes {stable_mosaic.version = 14 : i64} {
  func.func @k(%arg0: i32, %arg1: i32, %arg2: memref<16384x16xf32, #tpu.memory_space<hbm>>, %arg3: memref<128x128xi32, #tpu.memory_space<hbm>>, %arg4: memref<128x128xi32, #tpu.memory_space<hbm>>, %arg5: memref<128x128xi32, #tpu.memory_space<hbm>>, %arg6: memref<100000x64xf32, #tpu.memory_space<hbm>>, %arg7: memref<1000x64xf32, #tpu.memory_space<hbm>>, %arg8: memref<100000x64xf32, #tpu.memory_space<hbm>>, %arg9: memref<16384x256xf32, #tpu.memory_space<hbm>>, %arg10: memref<4x128xi32, #tpu.memory_space<vmem>>, %arg11: memref<4x128xi32, #tpu.memory_space<vmem>>, %arg12: memref<4x128xi32, #tpu.memory_space<vmem>>, %arg13: memref<512x64xf32, #tpu.memory_space<vmem>>, %arg14: memref<512x64xf32, #tpu.memory_space<vmem>>, %arg15: memref<512x64xf32, #tpu.memory_space<vmem>>, %arg16: memref<512x16xf32, #tpu.memory_space<vmem>>, %arg17: memref<!tpu.dma_semaphore, #tpu.memory_space<semaphore_mem>>) attributes {dimension_semantics = [#tpu.dimension_semantics<core_parallel>, #tpu.dimension_semantics<subcore_parallel>], iteration_bounds = array<i64: 2, 16>, scalar_prefetch = 0 : i64, scratch_operands = 8 : i64, tpu.core_type = #tpu.core_type<sc_vector_subcore>, window_params = [{transform_indices = #map}, {transform_indices = #map}, {transform_indices = #map}, {transform_indices = #map}, {transform_indices = #map}, {transform_indices = #map}, {transform_indices = #map}, {transform_indices = #map}]} {
    %mul3A = arith.constant 2 : i32
    %mul3A_0 = arith.muli %arg1, %mul3A : i32
    %add3A = arith.addi %mul3A_0, %arg0 : i32
    %mul3A_1 = arith.constant 512 : i32
    %mul3A_2 = arith.muli %add3A, %mul3A_1 : i32
    %mul3A_3 = arith.constant 4 : i32
    %mul3A_4 = arith.muli %add3A, %mul3A_3 : i32
    "tpu.region"() ({
      %run_scoped3A = tpu.sem_alloc : memref<!tpu.dma_semaphore, #tpu.memory_space<semaphore_mem>>
      %dma_start3A_243 = arith.constant 0 : i32
      %dma_start3A_244 = tpu.memref_slice %arg3[%mul3A_4, %dma_start3A_243] : memref<128x128xi32, #tpu.memory_space<hbm>> -> memref<4x128xi32, #tpu.memory_space<hbm>>
      %dma_start3A_245 = arith.constant 0 : i32
      %dma_start3A_246 = tpu.memref_slice %arg3[%mul3A_4, %dma_start3A_245] : memref<128x128xi32, #tpu.memory_space<hbm>> -> memref<4x128xi32, #tpu.memory_space<hbm>>
      tpu.enqueue_dma source(%dma_start3A_246 : memref<4x128xi32, #tpu.memory_space<hbm>>) target(%arg10 : memref<4x128xi32, #tpu.memory_space<vmem>>) target_semaphore(%run_scoped3A : memref<!tpu.dma_semaphore, #tpu.memory_space<semaphore_mem>>)
      %dma_wait3A_247 = arith.constant 0 : i32
      %dma_wait3A_248 = tpu.memref_slice %arg3[%mul3A_4, %dma_wait3A_247] : memref<128x128xi32, #tpu.memory_space<hbm>> -> memref<4x128xi32, #tpu.memory_space<hbm>>
      %dma_wait3A_249 = arith.constant 0 : i32
      %dma_wait3A_250 = tpu.memref_slice %arg3[%mul3A_4, %dma_wait3A_249] : memref<128x128xi32, #tpu.memory_space<hbm>> -> memref<4x128xi32, #tpu.memory_space<hbm>>
      tpu.wait_dma2 semaphore(%run_scoped3A : memref<!tpu.dma_semaphore, #tpu.memory_space<semaphore_mem>>) src(%dma_wait3A_250 : memref<4x128xi32, #tpu.memory_space<hbm>>) dst(%arg10 : memref<4x128xi32, #tpu.memory_space<vmem>>)
      tpu.yield
    }) : () -> ()
    "tpu.region"() ({
      %run_scoped3A = tpu.sem_alloc : memref<!tpu.dma_semaphore, #tpu.memory_space<semaphore_mem>>
      %dma_start3A_243 = arith.constant 0 : i32
      %dma_start3A_244 = tpu.memref_slice %arg4[%mul3A_4, %dma_start3A_243] : memref<128x128xi32, #tpu.memory_space<hbm>> -> memref<4x128xi32, #tpu.memory_space<hbm>>
      %dma_start3A_245 = arith.constant 0 : i32
      %dma_start3A_246 = tpu.memref_slice %arg4[%mul3A_4, %dma_start3A_245] : memref<128x128xi32, #tpu.memory_space<hbm>> -> memref<4x128xi32, #tpu.memory_space<hbm>>
      tpu.enqueue_dma source(%dma_start3A_246 : memref<4x128xi32, #tpu.memory_space<hbm>>) target(%arg11 : memref<4x128xi32, #tpu.memory_space<vmem>>) target_semaphore(%run_scoped3A : memref<!tpu.dma_semaphore, #tpu.memory_space<semaphore_mem>>)
      %dma_wait3A_247 = arith.constant 0 : i32
      %dma_wait3A_248 = tpu.memref_slice %arg4[%mul3A_4, %dma_wait3A_247] : memref<128x128xi32, #tpu.memory_space<hbm>> -> memref<4x128xi32, #tpu.memory_space<hbm>>
      %dma_wait3A_249 = arith.constant 0 : i32
      %dma_wait3A_250 = tpu.memref_slice %arg4[%mul3A_4, %dma_wait3A_249] : memref<128x128xi32, #tpu.memory_space<hbm>> -> memref<4x128xi32, #tpu.memory_space<hbm>>
      tpu.wait_dma2 semaphore(%run_scoped3A : memref<!tpu.dma_semaphore, #tpu.memory_space<semaphore_mem>>) src(%dma_wait3A_250 : memref<4x128xi32, #tpu.memory_space<hbm>>) dst(%arg11 : memref<4x128xi32, #tpu.memory_space<vmem>>)
      tpu.yield
    }) : () -> ()
    "tpu.region"() ({
      %run_scoped3A = tpu.sem_alloc : memref<!tpu.dma_semaphore, #tpu.memory_space<semaphore_mem>>
      %dma_start3A_243 = arith.constant 0 : i32
      %dma_start3A_244 = tpu.memref_slice %arg5[%mul3A_4, %dma_start3A_243] : memref<128x128xi32, #tpu.memory_space<hbm>> -> memref<4x128xi32, #tpu.memory_space<hbm>>
      %dma_start3A_245 = arith.constant 0 : i32
      %dma_start3A_246 = tpu.memref_slice %arg5[%mul3A_4, %dma_start3A_245] : memref<128x128xi32, #tpu.memory_space<hbm>> -> memref<4x128xi32, #tpu.memory_space<hbm>>
      tpu.enqueue_dma source(%dma_start3A_246 : memref<4x128xi32, #tpu.memory_space<hbm>>) target(%arg12 : memref<4x128xi32, #tpu.memory_space<vmem>>) target_semaphore(%run_scoped3A : memref<!tpu.dma_semaphore, #tpu.memory_space<semaphore_mem>>)
      %dma_wait3A_247 = arith.constant 0 : i32
      %dma_wait3A_248 = tpu.memref_slice %arg5[%mul3A_4, %dma_wait3A_247] : memref<128x128xi32, #tpu.memory_space<hbm>> -> memref<4x128xi32, #tpu.memory_space<hbm>>
      %dma_wait3A_249 = arith.constant 0 : i32
      %dma_wait3A_250 = tpu.memref_slice %arg5[%mul3A_4, %dma_wait3A_249] : memref<128x128xi32, #tpu.memory_space<hbm>> -> memref<4x128xi32, #tpu.memory_space<hbm>>
      tpu.wait_dma2 semaphore(%run_scoped3A : memref<!tpu.dma_semaphore, #tpu.memory_space<semaphore_mem>>) src(%dma_wait3A_250 : memref<4x128xi32, #tpu.memory_space<hbm>>) dst(%arg12 : memref<4x128xi32, #tpu.memory_space<vmem>>)
      tpu.yield
    }) : () -> ()
    "tpu.region"() ({
      %run_scoped3A = tpu.sem_alloc : memref<!tpu.dma_semaphore, #tpu.memory_space<semaphore_mem>>
      %dma_start3A_243 = arith.constant 0 : i32
      %dma_start3A_244 = tpu.memref_slice %arg2[%mul3A_2, %dma_start3A_243] : memref<16384x16xf32, #tpu.memory_space<hbm>> -> memref<512x16xf32, #tpu.memory_space<hbm>>
      %dma_start3A_245 = arith.constant 0 : i32
      %dma_start3A_246 = tpu.memref_slice %arg2[%mul3A_2, %dma_start3A_245] : memref<16384x16xf32, #tpu.memory_space<hbm>> -> memref<512x16xf32, #tpu.memory_space<hbm>>
      tpu.enqueue_dma source(%dma_start3A_246 : memref<512x16xf32, #tpu.memory_space<hbm>>) target(%arg16 : memref<512x16xf32, #tpu.memory_space<vmem>>) target_semaphore(%run_scoped3A : memref<!tpu.dma_semaphore, #tpu.memory_space<semaphore_mem>>)
      %dma_wait3A_247 = arith.constant 0 : i32
      %dma_wait3A_248 = tpu.memref_slice %arg2[%mul3A_2, %dma_wait3A_247] : memref<16384x16xf32, #tpu.memory_space<hbm>> -> memref<512x16xf32, #tpu.memory_space<hbm>>
      %dma_wait3A_249 = arith.constant 0 : i32
      %dma_wait3A_250 = tpu.memref_slice %arg2[%mul3A_2, %dma_wait3A_249] : memref<16384x16xf32, #tpu.memory_space<hbm>> -> memref<512x16xf32, #tpu.memory_space<hbm>>
      tpu.wait_dma2 semaphore(%run_scoped3A : memref<!tpu.dma_semaphore, #tpu.memory_space<semaphore_mem>>) src(%dma_wait3A_250 : memref<512x16xf32, #tpu.memory_space<hbm>>) dst(%arg16 : memref<512x16xf32, #tpu.memory_space<vmem>>)
      tpu.yield
    }) : () -> ()
    %dma_start3A = arith.constant 0 : i32
    %dma_start3A_5 = arith.constant 0 : i32
    %dma_start3A_6 = arith.constant 0 : i32
    %dma_start3A_7 = tpu.memref_slice %arg13[%dma_start3A_5, %dma_start3A_6] : memref<512x64xf32, #tpu.memory_space<vmem>> -> memref<128x64xf32, #tpu.memory_space<vmem>>
    %dma_start3A_8 = arith.constant 0 : i32
    %dma_start3A_9 = tpu.memref_slice %arg10[%dma_start3A, %dma_start3A_8] : memref<4x128xi32, #tpu.memory_space<vmem>> -> memref<1x128xi32, #tpu.memory_space<vmem>>
    %dma_start3A_10 = tpu.memref_squeeze %dma_start3A_9 : memref<1x128xi32, #tpu.memory_space<vmem>> -> memref<128xi32, #tpu.memory_space<vmem>>
    %dma_start3A_11 = arith.constant 0 : i32
    %dma_start3A_12 = arith.constant 0 : i32
    %dma_start3A_13 = tpu.memref_slice %arg6[%dma_start3A_11, %dma_start3A_12] : memref<100000x64xf32, #tpu.memory_space<hbm>> -> memref<100000x64xf32, #tpu.memory_space<hbm>>
    tpu.enqueue_indirect_dma source(%dma_start3A_13 : memref<100000x64xf32, #tpu.memory_space<hbm>>) target(%dma_start3A_7 : memref<128x64xf32, #tpu.memory_space<vmem>>) offsets(%dma_start3A_10 : memref<128xi32, #tpu.memory_space<vmem>>) semaphore(%arg17 : memref<!tpu.dma_semaphore, #tpu.memory_space<semaphore_mem>>)
    %dma_start3A_14 = arith.constant 1 : i32
    %dma_start3A_15 = arith.constant 128 : i32
    %dma_start3A_16 = arith.constant 0 : i32
    %dma_start3A_17 = tpu.memref_slice %arg13[%dma_start3A_15, %dma_start3A_16] : memref<512x64xf32, #tpu.memory_space<vmem>> -> memref<128x64xf32, #tpu.memory_space<vmem>>
    %dma_start3A_18 = arith.constant 0 : i32
    %dma_start3A_19 = tpu.memref_slice %arg10[%dma_start3A_14, %dma_start3A_18] : memref<4x128xi32, #tpu.memory_space<vmem>> -> memref<1x128xi32, #tpu.memory_space<vmem>>
    %dma_start3A_20 = tpu.memref_squeeze %dma_start3A_19 : memref<1x128xi32, #tpu.memory_space<vmem>> -> memref<128xi32, #tpu.memory_space<vmem>>
    %dma_start3A_21 = arith.constant 0 : i32
    %dma_start3A_22 = arith.constant 0 : i32
    %dma_start3A_23 = tpu.memref_slice %arg6[%dma_start3A_21, %dma_start3A_22] : memref<100000x64xf32, #tpu.memory_space<hbm>> -> memref<100000x64xf32, #tpu.memory_space<hbm>>
    tpu.enqueue_indirect_dma source(%dma_start3A_23 : memref<100000x64xf32, #tpu.memory_space<hbm>>) target(%dma_start3A_17 : memref<128x64xf32, #tpu.memory_space<vmem>>) offsets(%dma_start3A_20 : memref<128xi32, #tpu.memory_space<vmem>>) semaphore(%arg17 : memref<!tpu.dma_semaphore, #tpu.memory_space<semaphore_mem>>)
    %dma_start3A_24 = arith.constant 2 : i32
    %dma_start3A_25 = arith.constant 256 : i32
    %dma_start3A_26 = arith.constant 0 : i32
    %dma_start3A_27 = tpu.memref_slice %arg13[%dma_start3A_25, %dma_start3A_26] : memref<512x64xf32, #tpu.memory_space<vmem>> -> memref<128x64xf32, #tpu.memory_space<vmem>>
    %dma_start3A_28 = arith.constant 0 : i32
    %dma_start3A_29 = tpu.memref_slice %arg10[%dma_start3A_24, %dma_start3A_28] : memref<4x128xi32, #tpu.memory_space<vmem>> -> memref<1x128xi32, #tpu.memory_space<vmem>>
    %dma_start3A_30 = tpu.memref_squeeze %dma_start3A_29 : memref<1x128xi32, #tpu.memory_space<vmem>> -> memref<128xi32, #tpu.memory_space<vmem>>
    %dma_start3A_31 = arith.constant 0 : i32
    %dma_start3A_32 = arith.constant 0 : i32
    %dma_start3A_33 = tpu.memref_slice %arg6[%dma_start3A_31, %dma_start3A_32] : memref<100000x64xf32, #tpu.memory_space<hbm>> -> memref<100000x64xf32, #tpu.memory_space<hbm>>
    tpu.enqueue_indirect_dma source(%dma_start3A_33 : memref<100000x64xf32, #tpu.memory_space<hbm>>) target(%dma_start3A_27 : memref<128x64xf32, #tpu.memory_space<vmem>>) offsets(%dma_start3A_30 : memref<128xi32, #tpu.memory_space<vmem>>) semaphore(%arg17 : memref<!tpu.dma_semaphore, #tpu.memory_space<semaphore_mem>>)
    %dma_start3A_34 = arith.constant 3 : i32
    %dma_start3A_35 = arith.constant 384 : i32
    %dma_start3A_36 = arith.constant 0 : i32
    %dma_start3A_37 = tpu.memref_slice %arg13[%dma_start3A_35, %dma_start3A_36] : memref<512x64xf32, #tpu.memory_space<vmem>> -> memref<128x64xf32, #tpu.memory_space<vmem>>
    %dma_start3A_38 = arith.constant 0 : i32
    %dma_start3A_39 = tpu.memref_slice %arg10[%dma_start3A_34, %dma_start3A_38] : memref<4x128xi32, #tpu.memory_space<vmem>> -> memref<1x128xi32, #tpu.memory_space<vmem>>
    %dma_start3A_40 = tpu.memref_squeeze %dma_start3A_39 : memref<1x128xi32, #tpu.memory_space<vmem>> -> memref<128xi32, #tpu.memory_space<vmem>>
    %dma_start3A_41 = arith.constant 0 : i32
    %dma_start3A_42 = arith.constant 0 : i32
    %dma_start3A_43 = tpu.memref_slice %arg6[%dma_start3A_41, %dma_start3A_42] : memref<100000x64xf32, #tpu.memory_space<hbm>> -> memref<100000x64xf32, #tpu.memory_space<hbm>>
    tpu.enqueue_indirect_dma source(%dma_start3A_43 : memref<100000x64xf32, #tpu.memory_space<hbm>>) target(%dma_start3A_37 : memref<128x64xf32, #tpu.memory_space<vmem>>) offsets(%dma_start3A_40 : memref<128xi32, #tpu.memory_space<vmem>>) semaphore(%arg17 : memref<!tpu.dma_semaphore, #tpu.memory_space<semaphore_mem>>)
    %dma_start3A_44 = arith.constant 0 : i32
    %dma_start3A_45 = arith.constant 0 : i32
    %dma_start3A_46 = arith.constant 0 : i32
    %dma_start3A_47 = tpu.memref_slice %arg14[%dma_start3A_45, %dma_start3A_46] : memref<512x64xf32, #tpu.memory_space<vmem>> -> memref<128x64xf32, #tpu.memory_space<vmem>>
    %dma_start3A_48 = arith.constant 0 : i32
    %dma_start3A_49 = tpu.memref_slice %arg11[%dma_start3A_44, %dma_start3A_48] : memref<4x128xi32, #tpu.memory_space<vmem>> -> memref<1x128xi32, #tpu.memory_space<vmem>>
    %dma_start3A_50 = tpu.memref_squeeze %dma_start3A_49 : memref<1x128xi32, #tpu.memory_space<vmem>> -> memref<128xi32, #tpu.memory_space<vmem>>
    %dma_start3A_51 = arith.constant 0 : i32
    %dma_start3A_52 = arith.constant 0 : i32
    %dma_start3A_53 = tpu.memref_slice %arg7[%dma_start3A_51, %dma_start3A_52] : memref<1000x64xf32, #tpu.memory_space<hbm>> -> memref<1000x64xf32, #tpu.memory_space<hbm>>
    tpu.enqueue_indirect_dma source(%dma_start3A_53 : memref<1000x64xf32, #tpu.memory_space<hbm>>) target(%dma_start3A_47 : memref<128x64xf32, #tpu.memory_space<vmem>>) offsets(%dma_start3A_50 : memref<128xi32, #tpu.memory_space<vmem>>) semaphore(%arg17 : memref<!tpu.dma_semaphore, #tpu.memory_space<semaphore_mem>>)
    %dma_start3A_54 = arith.constant 1 : i32
    %dma_start3A_55 = arith.constant 128 : i32
    %dma_start3A_56 = arith.constant 0 : i32
    %dma_start3A_57 = tpu.memref_slice %arg14[%dma_start3A_55, %dma_start3A_56] : memref<512x64xf32, #tpu.memory_space<vmem>> -> memref<128x64xf32, #tpu.memory_space<vmem>>
    %dma_start3A_58 = arith.constant 0 : i32
    %dma_start3A_59 = tpu.memref_slice %arg11[%dma_start3A_54, %dma_start3A_58] : memref<4x128xi32, #tpu.memory_space<vmem>> -> memref<1x128xi32, #tpu.memory_space<vmem>>
    %dma_start3A_60 = tpu.memref_squeeze %dma_start3A_59 : memref<1x128xi32, #tpu.memory_space<vmem>> -> memref<128xi32, #tpu.memory_space<vmem>>
    %dma_start3A_61 = arith.constant 0 : i32
    %dma_start3A_62 = arith.constant 0 : i32
    %dma_start3A_63 = tpu.memref_slice %arg7[%dma_start3A_61, %dma_start3A_62] : memref<1000x64xf32, #tpu.memory_space<hbm>> -> memref<1000x64xf32, #tpu.memory_space<hbm>>
    tpu.enqueue_indirect_dma source(%dma_start3A_63 : memref<1000x64xf32, #tpu.memory_space<hbm>>) target(%dma_start3A_57 : memref<128x64xf32, #tpu.memory_space<vmem>>) offsets(%dma_start3A_60 : memref<128xi32, #tpu.memory_space<vmem>>) semaphore(%arg17 : memref<!tpu.dma_semaphore, #tpu.memory_space<semaphore_mem>>)
    %dma_start3A_64 = arith.constant 2 : i32
    %dma_start3A_65 = arith.constant 256 : i32
    %dma_start3A_66 = arith.constant 0 : i32
    %dma_start3A_67 = tpu.memref_slice %arg14[%dma_start3A_65, %dma_start3A_66] : memref<512x64xf32, #tpu.memory_space<vmem>> -> memref<128x64xf32, #tpu.memory_space<vmem>>
    %dma_start3A_68 = arith.constant 0 : i32
    %dma_start3A_69 = tpu.memref_slice %arg11[%dma_start3A_64, %dma_start3A_68] : memref<4x128xi32, #tpu.memory_space<vmem>> -> memref<1x128xi32, #tpu.memory_space<vmem>>
    %dma_start3A_70 = tpu.memref_squeeze %dma_start3A_69 : memref<1x128xi32, #tpu.memory_space<vmem>> -> memref<128xi32, #tpu.memory_space<vmem>>
    %dma_start3A_71 = arith.constant 0 : i32
    %dma_start3A_72 = arith.constant 0 : i32
    %dma_start3A_73 = tpu.memref_slice %arg7[%dma_start3A_71, %dma_start3A_72] : memref<1000x64xf32, #tpu.memory_space<hbm>> -> memref<1000x64xf32, #tpu.memory_space<hbm>>
    tpu.enqueue_indirect_dma source(%dma_start3A_73 : memref<1000x64xf32, #tpu.memory_space<hbm>>) target(%dma_start3A_67 : memref<128x64xf32, #tpu.memory_space<vmem>>) offsets(%dma_start3A_70 : memref<128xi32, #tpu.memory_space<vmem>>) semaphore(%arg17 : memref<!tpu.dma_semaphore, #tpu.memory_space<semaphore_mem>>)
    %dma_start3A_74 = arith.constant 3 : i32
    %dma_start3A_75 = arith.constant 384 : i32
    %dma_start3A_76 = arith.constant 0 : i32
    %dma_start3A_77 = tpu.memref_slice %arg14[%dma_start3A_75, %dma_start3A_76] : memref<512x64xf32, #tpu.memory_space<vmem>> -> memref<128x64xf32, #tpu.memory_space<vmem>>
    %dma_start3A_78 = arith.constant 0 : i32
    %dma_start3A_79 = tpu.memref_slice %arg11[%dma_start3A_74, %dma_start3A_78] : memref<4x128xi32, #tpu.memory_space<vmem>> -> memref<1x128xi32, #tpu.memory_space<vmem>>
    %dma_start3A_80 = tpu.memref_squeeze %dma_start3A_79 : memref<1x128xi32, #tpu.memory_space<vmem>> -> memref<128xi32, #tpu.memory_space<vmem>>
    %dma_start3A_81 = arith.constant 0 : i32
    %dma_start3A_82 = arith.constant 0 : i32
    %dma_start3A_83 = tpu.memref_slice %arg7[%dma_start3A_81, %dma_start3A_82] : memref<1000x64xf32, #tpu.memory_space<hbm>> -> memref<1000x64xf32, #tpu.memory_space<hbm>>
    tpu.enqueue_indirect_dma source(%dma_start3A_83 : memref<1000x64xf32, #tpu.memory_space<hbm>>) target(%dma_start3A_77 : memref<128x64xf32, #tpu.memory_space<vmem>>) offsets(%dma_start3A_80 : memref<128xi32, #tpu.memory_space<vmem>>) semaphore(%arg17 : memref<!tpu.dma_semaphore, #tpu.memory_space<semaphore_mem>>)
    %dma_start3A_84 = arith.constant 0 : i32
    %dma_start3A_85 = arith.constant 0 : i32
    %dma_start3A_86 = arith.constant 0 : i32
    %dma_start3A_87 = tpu.memref_slice %arg15[%dma_start3A_85, %dma_start3A_86] : memref<512x64xf32, #tpu.memory_space<vmem>> -> memref<128x64xf32, #tpu.memory_space<vmem>>
    %dma_start3A_88 = arith.constant 0 : i32
    %dma_start3A_89 = tpu.memref_slice %arg12[%dma_start3A_84, %dma_start3A_88] : memref<4x128xi32, #tpu.memory_space<vmem>> -> memref<1x128xi32, #tpu.memory_space<vmem>>
    %dma_start3A_90 = tpu.memref_squeeze %dma_start3A_89 : memref<1x128xi32, #tpu.memory_space<vmem>> -> memref<128xi32, #tpu.memory_space<vmem>>
    %dma_start3A_91 = arith.constant 0 : i32
    %dma_start3A_92 = arith.constant 0 : i32
    %dma_start3A_93 = tpu.memref_slice %arg8[%dma_start3A_91, %dma_start3A_92] : memref<100000x64xf32, #tpu.memory_space<hbm>> -> memref<100000x64xf32, #tpu.memory_space<hbm>>
    tpu.enqueue_indirect_dma source(%dma_start3A_93 : memref<100000x64xf32, #tpu.memory_space<hbm>>) target(%dma_start3A_87 : memref<128x64xf32, #tpu.memory_space<vmem>>) offsets(%dma_start3A_90 : memref<128xi32, #tpu.memory_space<vmem>>) semaphore(%arg17 : memref<!tpu.dma_semaphore, #tpu.memory_space<semaphore_mem>>)
    %dma_start3A_94 = arith.constant 1 : i32
    %dma_start3A_95 = arith.constant 128 : i32
    %dma_start3A_96 = arith.constant 0 : i32
    %dma_start3A_97 = tpu.memref_slice %arg15[%dma_start3A_95, %dma_start3A_96] : memref<512x64xf32, #tpu.memory_space<vmem>> -> memref<128x64xf32, #tpu.memory_space<vmem>>
    %dma_start3A_98 = arith.constant 0 : i32
    %dma_start3A_99 = tpu.memref_slice %arg12[%dma_start3A_94, %dma_start3A_98] : memref<4x128xi32, #tpu.memory_space<vmem>> -> memref<1x128xi32, #tpu.memory_space<vmem>>
    %dma_start3A_100 = tpu.memref_squeeze %dma_start3A_99 : memref<1x128xi32, #tpu.memory_space<vmem>> -> memref<128xi32, #tpu.memory_space<vmem>>
    %dma_start3A_101 = arith.constant 0 : i32
    %dma_start3A_102 = arith.constant 0 : i32
    %dma_start3A_103 = tpu.memref_slice %arg8[%dma_start3A_101, %dma_start3A_102] : memref<100000x64xf32, #tpu.memory_space<hbm>> -> memref<100000x64xf32, #tpu.memory_space<hbm>>
    tpu.enqueue_indirect_dma source(%dma_start3A_103 : memref<100000x64xf32, #tpu.memory_space<hbm>>) target(%dma_start3A_97 : memref<128x64xf32, #tpu.memory_space<vmem>>) offsets(%dma_start3A_100 : memref<128xi32, #tpu.memory_space<vmem>>) semaphore(%arg17 : memref<!tpu.dma_semaphore, #tpu.memory_space<semaphore_mem>>)
    %dma_start3A_104 = arith.constant 2 : i32
    %dma_start3A_105 = arith.constant 256 : i32
    %dma_start3A_106 = arith.constant 0 : i32
    %dma_start3A_107 = tpu.memref_slice %arg15[%dma_start3A_105, %dma_start3A_106] : memref<512x64xf32, #tpu.memory_space<vmem>> -> memref<128x64xf32, #tpu.memory_space<vmem>>
    %dma_start3A_108 = arith.constant 0 : i32
    %dma_start3A_109 = tpu.memref_slice %arg12[%dma_start3A_104, %dma_start3A_108] : memref<4x128xi32, #tpu.memory_space<vmem>> -> memref<1x128xi32, #tpu.memory_space<vmem>>
    %dma_start3A_110 = tpu.memref_squeeze %dma_start3A_109 : memref<1x128xi32, #tpu.memory_space<vmem>> -> memref<128xi32, #tpu.memory_space<vmem>>
    %dma_start3A_111 = arith.constant 0 : i32
    %dma_start3A_112 = arith.constant 0 : i32
    %dma_start3A_113 = tpu.memref_slice %arg8[%dma_start3A_111, %dma_start3A_112] : memref<100000x64xf32, #tpu.memory_space<hbm>> -> memref<100000x64xf32, #tpu.memory_space<hbm>>
    tpu.enqueue_indirect_dma source(%dma_start3A_113 : memref<100000x64xf32, #tpu.memory_space<hbm>>) target(%dma_start3A_107 : memref<128x64xf32, #tpu.memory_space<vmem>>) offsets(%dma_start3A_110 : memref<128xi32, #tpu.memory_space<vmem>>) semaphore(%arg17 : memref<!tpu.dma_semaphore, #tpu.memory_space<semaphore_mem>>)
    %dma_start3A_114 = arith.constant 3 : i32
    %dma_start3A_115 = arith.constant 384 : i32
    %dma_start3A_116 = arith.constant 0 : i32
    %dma_start3A_117 = tpu.memref_slice %arg15[%dma_start3A_115, %dma_start3A_116] : memref<512x64xf32, #tpu.memory_space<vmem>> -> memref<128x64xf32, #tpu.memory_space<vmem>>
    %dma_start3A_118 = arith.constant 0 : i32
    %dma_start3A_119 = tpu.memref_slice %arg12[%dma_start3A_114, %dma_start3A_118] : memref<4x128xi32, #tpu.memory_space<vmem>> -> memref<1x128xi32, #tpu.memory_space<vmem>>
    %dma_start3A_120 = tpu.memref_squeeze %dma_start3A_119 : memref<1x128xi32, #tpu.memory_space<vmem>> -> memref<128xi32, #tpu.memory_space<vmem>>
    %dma_start3A_121 = arith.constant 0 : i32
    %dma_start3A_122 = arith.constant 0 : i32
    %dma_start3A_123 = tpu.memref_slice %arg8[%dma_start3A_121, %dma_start3A_122] : memref<100000x64xf32, #tpu.memory_space<hbm>> -> memref<100000x64xf32, #tpu.memory_space<hbm>>
    tpu.enqueue_indirect_dma source(%dma_start3A_123 : memref<100000x64xf32, #tpu.memory_space<hbm>>) target(%dma_start3A_117 : memref<128x64xf32, #tpu.memory_space<vmem>>) offsets(%dma_start3A_120 : memref<128xi32, #tpu.memory_space<vmem>>) semaphore(%arg17 : memref<!tpu.dma_semaphore, #tpu.memory_space<semaphore_mem>>)
    %dma_wait3A = arith.constant 0 : i32
    %dma_wait3A_124 = arith.constant 0 : i32
    %dma_wait3A_125 = arith.constant 0 : i32
    %dma_wait3A_126 = tpu.memref_slice %arg13[%dma_wait3A_124, %dma_wait3A_125] : memref<512x64xf32, #tpu.memory_space<vmem>> -> memref<128x64xf32, #tpu.memory_space<vmem>>
    %dma_wait3A_127 = arith.constant 0 : i32
    %dma_wait3A_128 = tpu.memref_slice %arg10[%dma_wait3A, %dma_wait3A_127] : memref<4x128xi32, #tpu.memory_space<vmem>> -> memref<1x128xi32, #tpu.memory_space<vmem>>
    %dma_wait3A_129 = tpu.memref_squeeze %dma_wait3A_128 : memref<1x128xi32, #tpu.memory_space<vmem>> -> memref<128xi32, #tpu.memory_space<vmem>>
    %dma_wait3A_130 = arith.constant 0 : i32
    %dma_wait3A_131 = arith.constant 0 : i32
    %dma_wait3A_132 = tpu.memref_slice %arg6[%dma_wait3A_130, %dma_wait3A_131] : memref<100000x64xf32, #tpu.memory_space<hbm>> -> memref<100000x64xf32, #tpu.memory_space<hbm>>
    tpu.wait_indirect_dma semaphore(%arg17 : memref<!tpu.dma_semaphore, #tpu.memory_space<semaphore_mem>>) src(%dma_wait3A_132 : memref<100000x64xf32, #tpu.memory_space<hbm>>) dst(%dma_wait3A_126 : memref<128x64xf32, #tpu.memory_space<vmem>>)
    %dma_wait3A_133 = arith.constant 1 : i32
    %dma_wait3A_134 = arith.constant 128 : i32
    %dma_wait3A_135 = arith.constant 0 : i32
    %dma_wait3A_136 = tpu.memref_slice %arg13[%dma_wait3A_134, %dma_wait3A_135] : memref<512x64xf32, #tpu.memory_space<vmem>> -> memref<128x64xf32, #tpu.memory_space<vmem>>
    %dma_wait3A_137 = arith.constant 0 : i32
    %dma_wait3A_138 = tpu.memref_slice %arg10[%dma_wait3A_133, %dma_wait3A_137] : memref<4x128xi32, #tpu.memory_space<vmem>> -> memref<1x128xi32, #tpu.memory_space<vmem>>
    %dma_wait3A_139 = tpu.memref_squeeze %dma_wait3A_138 : memref<1x128xi32, #tpu.memory_space<vmem>> -> memref<128xi32, #tpu.memory_space<vmem>>
    %dma_wait3A_140 = arith.constant 0 : i32
    %dma_wait3A_141 = arith.constant 0 : i32
    %dma_wait3A_142 = tpu.memref_slice %arg6[%dma_wait3A_140, %dma_wait3A_141] : memref<100000x64xf32, #tpu.memory_space<hbm>> -> memref<100000x64xf32, #tpu.memory_space<hbm>>
    tpu.wait_indirect_dma semaphore(%arg17 : memref<!tpu.dma_semaphore, #tpu.memory_space<semaphore_mem>>) src(%dma_wait3A_142 : memref<100000x64xf32, #tpu.memory_space<hbm>>) dst(%dma_wait3A_136 : memref<128x64xf32, #tpu.memory_space<vmem>>)
    %dma_wait3A_143 = arith.constant 2 : i32
    %dma_wait3A_144 = arith.constant 256 : i32
    %dma_wait3A_145 = arith.constant 0 : i32
    %dma_wait3A_146 = tpu.memref_slice %arg13[%dma_wait3A_144, %dma_wait3A_145] : memref<512x64xf32, #tpu.memory_space<vmem>> -> memref<128x64xf32, #tpu.memory_space<vmem>>
    %dma_wait3A_147 = arith.constant 0 : i32
    %dma_wait3A_148 = tpu.memref_slice %arg10[%dma_wait3A_143, %dma_wait3A_147] : memref<4x128xi32, #tpu.memory_space<vmem>> -> memref<1x128xi32, #tpu.memory_space<vmem>>
    %dma_wait3A_149 = tpu.memref_squeeze %dma_wait3A_148 : memref<1x128xi32, #tpu.memory_space<vmem>> -> memref<128xi32, #tpu.memory_space<vmem>>
    %dma_wait3A_150 = arith.constant 0 : i32
    %dma_wait3A_151 = arith.constant 0 : i32
    %dma_wait3A_152 = tpu.memref_slice %arg6[%dma_wait3A_150, %dma_wait3A_151] : memref<100000x64xf32, #tpu.memory_space<hbm>> -> memref<100000x64xf32, #tpu.memory_space<hbm>>
    tpu.wait_indirect_dma semaphore(%arg17 : memref<!tpu.dma_semaphore, #tpu.memory_space<semaphore_mem>>) src(%dma_wait3A_152 : memref<100000x64xf32, #tpu.memory_space<hbm>>) dst(%dma_wait3A_146 : memref<128x64xf32, #tpu.memory_space<vmem>>)
    %dma_wait3A_153 = arith.constant 3 : i32
    %dma_wait3A_154 = arith.constant 384 : i32
    %dma_wait3A_155 = arith.constant 0 : i32
    %dma_wait3A_156 = tpu.memref_slice %arg13[%dma_wait3A_154, %dma_wait3A_155] : memref<512x64xf32, #tpu.memory_space<vmem>> -> memref<128x64xf32, #tpu.memory_space<vmem>>
    %dma_wait3A_157 = arith.constant 0 : i32
    %dma_wait3A_158 = tpu.memref_slice %arg10[%dma_wait3A_153, %dma_wait3A_157] : memref<4x128xi32, #tpu.memory_space<vmem>> -> memref<1x128xi32, #tpu.memory_space<vmem>>
    %dma_wait3A_159 = tpu.memref_squeeze %dma_wait3A_158 : memref<1x128xi32, #tpu.memory_space<vmem>> -> memref<128xi32, #tpu.memory_space<vmem>>
    %dma_wait3A_160 = arith.constant 0 : i32
    %dma_wait3A_161 = arith.constant 0 : i32
    %dma_wait3A_162 = tpu.memref_slice %arg6[%dma_wait3A_160, %dma_wait3A_161] : memref<100000x64xf32, #tpu.memory_space<hbm>> -> memref<100000x64xf32, #tpu.memory_space<hbm>>
    tpu.wait_indirect_dma semaphore(%arg17 : memref<!tpu.dma_semaphore, #tpu.memory_space<semaphore_mem>>) src(%dma_wait3A_162 : memref<100000x64xf32, #tpu.memory_space<hbm>>) dst(%dma_wait3A_156 : memref<128x64xf32, #tpu.memory_space<vmem>>)
    %dma_wait3A_163 = arith.constant 0 : i32
    %dma_wait3A_164 = arith.constant 0 : i32
    %dma_wait3A_165 = arith.constant 0 : i32
    %dma_wait3A_166 = tpu.memref_slice %arg14[%dma_wait3A_164, %dma_wait3A_165] : memref<512x64xf32, #tpu.memory_space<vmem>> -> memref<128x64xf32, #tpu.memory_space<vmem>>
    %dma_wait3A_167 = arith.constant 0 : i32
    %dma_wait3A_168 = tpu.memref_slice %arg11[%dma_wait3A_163, %dma_wait3A_167] : memref<4x128xi32, #tpu.memory_space<vmem>> -> memref<1x128xi32, #tpu.memory_space<vmem>>
    %dma_wait3A_169 = tpu.memref_squeeze %dma_wait3A_168 : memref<1x128xi32, #tpu.memory_space<vmem>> -> memref<128xi32, #tpu.memory_space<vmem>>
    %dma_wait3A_170 = arith.constant 0 : i32
    %dma_wait3A_171 = arith.constant 0 : i32
    %dma_wait3A_172 = tpu.memref_slice %arg7[%dma_wait3A_170, %dma_wait3A_171] : memref<1000x64xf32, #tpu.memory_space<hbm>> -> memref<1000x64xf32, #tpu.memory_space<hbm>>
    tpu.wait_indirect_dma semaphore(%arg17 : memref<!tpu.dma_semaphore, #tpu.memory_space<semaphore_mem>>) src(%dma_wait3A_172 : memref<1000x64xf32, #tpu.memory_space<hbm>>) dst(%dma_wait3A_166 : memref<128x64xf32, #tpu.memory_space<vmem>>)
    %dma_wait3A_173 = arith.constant 1 : i32
    %dma_wait3A_174 = arith.constant 128 : i32
    %dma_wait3A_175 = arith.constant 0 : i32
    %dma_wait3A_176 = tpu.memref_slice %arg14[%dma_wait3A_174, %dma_wait3A_175] : memref<512x64xf32, #tpu.memory_space<vmem>> -> memref<128x64xf32, #tpu.memory_space<vmem>>
    %dma_wait3A_177 = arith.constant 0 : i32
    %dma_wait3A_178 = tpu.memref_slice %arg11[%dma_wait3A_173, %dma_wait3A_177] : memref<4x128xi32, #tpu.memory_space<vmem>> -> memref<1x128xi32, #tpu.memory_space<vmem>>
    %dma_wait3A_179 = tpu.memref_squeeze %dma_wait3A_178 : memref<1x128xi32, #tpu.memory_space<vmem>> -> memref<128xi32, #tpu.memory_space<vmem>>
    %dma_wait3A_180 = arith.constant 0 : i32
    %dma_wait3A_181 = arith.constant 0 : i32
    %dma_wait3A_182 = tpu.memref_slice %arg7[%dma_wait3A_180, %dma_wait3A_181] : memref<1000x64xf32, #tpu.memory_space<hbm>> -> memref<1000x64xf32, #tpu.memory_space<hbm>>
    tpu.wait_indirect_dma semaphore(%arg17 : memref<!tpu.dma_semaphore, #tpu.memory_space<semaphore_mem>>) src(%dma_wait3A_182 : memref<1000x64xf32, #tpu.memory_space<hbm>>) dst(%dma_wait3A_176 : memref<128x64xf32, #tpu.memory_space<vmem>>)
    %dma_wait3A_183 = arith.constant 2 : i32
    %dma_wait3A_184 = arith.constant 256 : i32
    %dma_wait3A_185 = arith.constant 0 : i32
    %dma_wait3A_186 = tpu.memref_slice %arg14[%dma_wait3A_184, %dma_wait3A_185] : memref<512x64xf32, #tpu.memory_space<vmem>> -> memref<128x64xf32, #tpu.memory_space<vmem>>
    %dma_wait3A_187 = arith.constant 0 : i32
    %dma_wait3A_188 = tpu.memref_slice %arg11[%dma_wait3A_183, %dma_wait3A_187] : memref<4x128xi32, #tpu.memory_space<vmem>> -> memref<1x128xi32, #tpu.memory_space<vmem>>
    %dma_wait3A_189 = tpu.memref_squeeze %dma_wait3A_188 : memref<1x128xi32, #tpu.memory_space<vmem>> -> memref<128xi32, #tpu.memory_space<vmem>>
    %dma_wait3A_190 = arith.constant 0 : i32
    %dma_wait3A_191 = arith.constant 0 : i32
    %dma_wait3A_192 = tpu.memref_slice %arg7[%dma_wait3A_190, %dma_wait3A_191] : memref<1000x64xf32, #tpu.memory_space<hbm>> -> memref<1000x64xf32, #tpu.memory_space<hbm>>
    tpu.wait_indirect_dma semaphore(%arg17 : memref<!tpu.dma_semaphore, #tpu.memory_space<semaphore_mem>>) src(%dma_wait3A_192 : memref<1000x64xf32, #tpu.memory_space<hbm>>) dst(%dma_wait3A_186 : memref<128x64xf32, #tpu.memory_space<vmem>>)
    %dma_wait3A_193 = arith.constant 3 : i32
    %dma_wait3A_194 = arith.constant 384 : i32
    %dma_wait3A_195 = arith.constant 0 : i32
    %dma_wait3A_196 = tpu.memref_slice %arg14[%dma_wait3A_194, %dma_wait3A_195] : memref<512x64xf32, #tpu.memory_space<vmem>> -> memref<128x64xf32, #tpu.memory_space<vmem>>
    %dma_wait3A_197 = arith.constant 0 : i32
    %dma_wait3A_198 = tpu.memref_slice %arg11[%dma_wait3A_193, %dma_wait3A_197] : memref<4x128xi32, #tpu.memory_space<vmem>> -> memref<1x128xi32, #tpu.memory_space<vmem>>
    %dma_wait3A_199 = tpu.memref_squeeze %dma_wait3A_198 : memref<1x128xi32, #tpu.memory_space<vmem>> -> memref<128xi32, #tpu.memory_space<vmem>>
    %dma_wait3A_200 = arith.constant 0 : i32
    %dma_wait3A_201 = arith.constant 0 : i32
    %dma_wait3A_202 = tpu.memref_slice %arg7[%dma_wait3A_200, %dma_wait3A_201] : memref<1000x64xf32, #tpu.memory_space<hbm>> -> memref<1000x64xf32, #tpu.memory_space<hbm>>
    tpu.wait_indirect_dma semaphore(%arg17 : memref<!tpu.dma_semaphore, #tpu.memory_space<semaphore_mem>>) src(%dma_wait3A_202 : memref<1000x64xf32, #tpu.memory_space<hbm>>) dst(%dma_wait3A_196 : memref<128x64xf32, #tpu.memory_space<vmem>>)
    %dma_wait3A_203 = arith.constant 0 : i32
    %dma_wait3A_204 = arith.constant 0 : i32
    %dma_wait3A_205 = arith.constant 0 : i32
    %dma_wait3A_206 = tpu.memref_slice %arg15[%dma_wait3A_204, %dma_wait3A_205] : memref<512x64xf32, #tpu.memory_space<vmem>> -> memref<128x64xf32, #tpu.memory_space<vmem>>
    %dma_wait3A_207 = arith.constant 0 : i32
    %dma_wait3A_208 = tpu.memref_slice %arg12[%dma_wait3A_203, %dma_wait3A_207] : memref<4x128xi32, #tpu.memory_space<vmem>> -> memref<1x128xi32, #tpu.memory_space<vmem>>
    %dma_wait3A_209 = tpu.memref_squeeze %dma_wait3A_208 : memref<1x128xi32, #tpu.memory_space<vmem>> -> memref<128xi32, #tpu.memory_space<vmem>>
    %dma_wait3A_210 = arith.constant 0 : i32
    %dma_wait3A_211 = arith.constant 0 : i32
    %dma_wait3A_212 = tpu.memref_slice %arg8[%dma_wait3A_210, %dma_wait3A_211] : memref<100000x64xf32, #tpu.memory_space<hbm>> -> memref<100000x64xf32, #tpu.memory_space<hbm>>
    tpu.wait_indirect_dma semaphore(%arg17 : memref<!tpu.dma_semaphore, #tpu.memory_space<semaphore_mem>>) src(%dma_wait3A_212 : memref<100000x64xf32, #tpu.memory_space<hbm>>) dst(%dma_wait3A_206 : memref<128x64xf32, #tpu.memory_space<vmem>>)
    %dma_wait3A_213 = arith.constant 1 : i32
    %dma_wait3A_214 = arith.constant 128 : i32
    %dma_wait3A_215 = arith.constant 0 : i32
    %dma_wait3A_216 = tpu.memref_slice %arg15[%dma_wait3A_214, %dma_wait3A_215] : memref<512x64xf32, #tpu.memory_space<vmem>> -> memref<128x64xf32, #tpu.memory_space<vmem>>
    %dma_wait3A_217 = arith.constant 0 : i32
    %dma_wait3A_218 = tpu.memref_slice %arg12[%dma_wait3A_213, %dma_wait3A_217] : memref<4x128xi32, #tpu.memory_space<vmem>> -> memref<1x128xi32, #tpu.memory_space<vmem>>
    %dma_wait3A_219 = tpu.memref_squeeze %dma_wait3A_218 : memref<1x128xi32, #tpu.memory_space<vmem>> -> memref<128xi32, #tpu.memory_space<vmem>>
    %dma_wait3A_220 = arith.constant 0 : i32
    %dma_wait3A_221 = arith.constant 0 : i32
    %dma_wait3A_222 = tpu.memref_slice %arg8[%dma_wait3A_220, %dma_wait3A_221] : memref<100000x64xf32, #tpu.memory_space<hbm>> -> memref<100000x64xf32, #tpu.memory_space<hbm>>
    tpu.wait_indirect_dma semaphore(%arg17 : memref<!tpu.dma_semaphore, #tpu.memory_space<semaphore_mem>>) src(%dma_wait3A_222 : memref<100000x64xf32, #tpu.memory_space<hbm>>) dst(%dma_wait3A_216 : memref<128x64xf32, #tpu.memory_space<vmem>>)
    %dma_wait3A_223 = arith.constant 2 : i32
    %dma_wait3A_224 = arith.constant 256 : i32
    %dma_wait3A_225 = arith.constant 0 : i32
    %dma_wait3A_226 = tpu.memref_slice %arg15[%dma_wait3A_224, %dma_wait3A_225] : memref<512x64xf32, #tpu.memory_space<vmem>> -> memref<128x64xf32, #tpu.memory_space<vmem>>
    %dma_wait3A_227 = arith.constant 0 : i32
    %dma_wait3A_228 = tpu.memref_slice %arg12[%dma_wait3A_223, %dma_wait3A_227] : memref<4x128xi32, #tpu.memory_space<vmem>> -> memref<1x128xi32, #tpu.memory_space<vmem>>
    %dma_wait3A_229 = tpu.memref_squeeze %dma_wait3A_228 : memref<1x128xi32, #tpu.memory_space<vmem>> -> memref<128xi32, #tpu.memory_space<vmem>>
    %dma_wait3A_230 = arith.constant 0 : i32
    %dma_wait3A_231 = arith.constant 0 : i32
    %dma_wait3A_232 = tpu.memref_slice %arg8[%dma_wait3A_230, %dma_wait3A_231] : memref<100000x64xf32, #tpu.memory_space<hbm>> -> memref<100000x64xf32, #tpu.memory_space<hbm>>
    tpu.wait_indirect_dma semaphore(%arg17 : memref<!tpu.dma_semaphore, #tpu.memory_space<semaphore_mem>>) src(%dma_wait3A_232 : memref<100000x64xf32, #tpu.memory_space<hbm>>) dst(%dma_wait3A_226 : memref<128x64xf32, #tpu.memory_space<vmem>>)
    %dma_wait3A_233 = arith.constant 3 : i32
    %dma_wait3A_234 = arith.constant 384 : i32
    %dma_wait3A_235 = arith.constant 0 : i32
    %dma_wait3A_236 = tpu.memref_slice %arg15[%dma_wait3A_234, %dma_wait3A_235] : memref<512x64xf32, #tpu.memory_space<vmem>> -> memref<128x64xf32, #tpu.memory_space<vmem>>
    %dma_wait3A_237 = arith.constant 0 : i32
    %dma_wait3A_238 = tpu.memref_slice %arg12[%dma_wait3A_233, %dma_wait3A_237] : memref<4x128xi32, #tpu.memory_space<vmem>> -> memref<1x128xi32, #tpu.memory_space<vmem>>
    %dma_wait3A_239 = tpu.memref_squeeze %dma_wait3A_238 : memref<1x128xi32, #tpu.memory_space<vmem>> -> memref<128xi32, #tpu.memory_space<vmem>>
    %dma_wait3A_240 = arith.constant 0 : i32
    %dma_wait3A_241 = arith.constant 0 : i32
    %dma_wait3A_242 = tpu.memref_slice %arg8[%dma_wait3A_240, %dma_wait3A_241] : memref<100000x64xf32, #tpu.memory_space<hbm>> -> memref<100000x64xf32, #tpu.memory_space<hbm>>
    tpu.wait_indirect_dma semaphore(%arg17 : memref<!tpu.dma_semaphore, #tpu.memory_space<semaphore_mem>>) src(%dma_wait3A_242 : memref<100000x64xf32, #tpu.memory_space<hbm>>) dst(%dma_wait3A_236 : memref<128x64xf32, #tpu.memory_space<vmem>>)
    "tpu.region"() ({
      %run_scoped3A = tpu.sem_alloc : memref<!tpu.dma_semaphore, #tpu.memory_space<semaphore_mem>>
      %dma_start3A_243 = arith.constant 0 : i32
      %dma_start3A_244 = tpu.memref_slice %arg9[%mul3A_2, %dma_start3A_243] : memref<16384x256xf32, #tpu.memory_space<hbm>> -> memref<512x16xf32, #tpu.memory_space<hbm>>
      %dma_start3A_245 = arith.constant 0 : i32
      %dma_start3A_246 = tpu.memref_slice %arg9[%mul3A_2, %dma_start3A_245] : memref<16384x256xf32, #tpu.memory_space<hbm>> -> memref<512x16xf32, #tpu.memory_space<hbm>>
      tpu.enqueue_dma source(%arg16 : memref<512x16xf32, #tpu.memory_space<vmem>>) target(%dma_start3A_246 : memref<512x16xf32, #tpu.memory_space<hbm>>) target_semaphore(%run_scoped3A : memref<!tpu.dma_semaphore, #tpu.memory_space<semaphore_mem>>)
      %dma_wait3A_247 = arith.constant 0 : i32
      %dma_wait3A_248 = tpu.memref_slice %arg9[%mul3A_2, %dma_wait3A_247] : memref<16384x256xf32, #tpu.memory_space<hbm>> -> memref<512x16xf32, #tpu.memory_space<hbm>>
      %dma_wait3A_249 = arith.constant 0 : i32
      %dma_wait3A_250 = tpu.memref_slice %arg9[%mul3A_2, %dma_wait3A_249] : memref<16384x256xf32, #tpu.memory_space<hbm>> -> memref<512x16xf32, #tpu.memory_space<hbm>>
      tpu.wait_dma2 semaphore(%run_scoped3A : memref<!tpu.dma_semaphore, #tpu.memory_space<semaphore_mem>>) src(%arg16 : memref<512x16xf32, #tpu.memory_space<vmem>>) dst(%dma_wait3A_250 : memref<512x16xf32, #tpu.memory_space<hbm>>)
      tpu.yield
    }) : () -> ()
    "tpu.region"() ({
      %run_scoped3A = tpu.sem_alloc : memref<!tpu.dma_semaphore, #tpu.memory_space<semaphore_mem>>
      %dma_start3A_243 = arith.constant 16 : i32
      %dma_start3A_244 = tpu.memref_slice %arg9[%mul3A_2, %dma_start3A_243] : memref<16384x256xf32, #tpu.memory_space<hbm>> -> memref<512x64xf32, #tpu.memory_space<hbm>>
      %dma_start3A_245 = arith.constant 16 : i32
      %dma_start3A_246 = tpu.memref_slice %arg9[%mul3A_2, %dma_start3A_245] : memref<16384x256xf32, #tpu.memory_space<hbm>> -> memref<512x64xf32, #tpu.memory_space<hbm>>
      tpu.enqueue_dma source(%arg13 : memref<512x64xf32, #tpu.memory_space<vmem>>) target(%dma_start3A_246 : memref<512x64xf32, #tpu.memory_space<hbm>>) target_semaphore(%run_scoped3A : memref<!tpu.dma_semaphore, #tpu.memory_space<semaphore_mem>>)
      %dma_wait3A_247 = arith.constant 16 : i32
      %dma_wait3A_248 = tpu.memref_slice %arg9[%mul3A_2, %dma_wait3A_247] : memref<16384x256xf32, #tpu.memory_space<hbm>> -> memref<512x64xf32, #tpu.memory_space<hbm>>
      %dma_wait3A_249 = arith.constant 16 : i32
      %dma_wait3A_250 = tpu.memref_slice %arg9[%mul3A_2, %dma_wait3A_249] : memref<16384x256xf32, #tpu.memory_space<hbm>> -> memref<512x64xf32, #tpu.memory_space<hbm>>
      tpu.wait_dma2 semaphore(%run_scoped3A : memref<!tpu.dma_semaphore, #tpu.memory_space<semaphore_mem>>) src(%arg13 : memref<512x64xf32, #tpu.memory_space<vmem>>) dst(%dma_wait3A_250 : memref<512x64xf32, #tpu.memory_space<hbm>>)
      tpu.yield
    }) : () -> ()
    "tpu.region"() ({
      %run_scoped3A = tpu.sem_alloc : memref<!tpu.dma_semaphore, #tpu.memory_space<semaphore_mem>>
      %dma_start3A_243 = arith.constant 80 : i32
      %dma_start3A_244 = tpu.memref_slice %arg9[%mul3A_2, %dma_start3A_243] : memref<16384x256xf32, #tpu.memory_space<hbm>> -> memref<512x64xf32, #tpu.memory_space<hbm>>
      %dma_start3A_245 = arith.constant 80 : i32
      %dma_start3A_246 = tpu.memref_slice %arg9[%mul3A_2, %dma_start3A_245] : memref<16384x256xf32, #tpu.memory_space<hbm>> -> memref<512x64xf32, #tpu.memory_space<hbm>>
      tpu.enqueue_dma source(%arg14 : memref<512x64xf32, #tpu.memory_space<vmem>>) target(%dma_start3A_246 : memref<512x64xf32, #tpu.memory_space<hbm>>) target_semaphore(%run_scoped3A : memref<!tpu.dma_semaphore, #tpu.memory_space<semaphore_mem>>)
      %dma_wait3A_247 = arith.constant 80 : i32
      %dma_wait3A_248 = tpu.memref_slice %arg9[%mul3A_2, %dma_wait3A_247] : memref<16384x256xf32, #tpu.memory_space<hbm>> -> memref<512x64xf32, #tpu.memory_space<hbm>>
      %dma_wait3A_249 = arith.constant 80 : i32
      %dma_wait3A_250 = tpu.memref_slice %arg9[%mul3A_2, %dma_wait3A_249] : memref<16384x256xf32, #tpu.memory_space<hbm>> -> memref<512x64xf32, #tpu.memory_space<hbm>>
      tpu.wait_dma2 semaphore(%run_scoped3A : memref<!tpu.dma_semaphore, #tpu.memory_space<semaphore_mem>>) src(%arg14 : memref<512x64xf32, #tpu.memory_space<vmem>>) dst(%dma_wait3A_250 : memref<512x64xf32, #tpu.memory_space<hbm>>)
      tpu.yield
    }) : () -> ()
    "tpu.region"() ({
      %run_scoped3A = tpu.sem_alloc : memref<!tpu.dma_semaphore, #tpu.memory_space<semaphore_mem>>
      %dma_start3A_243 = arith.constant 144 : i32
      %dma_start3A_244 = tpu.memref_slice %arg9[%mul3A_2, %dma_start3A_243] : memref<16384x256xf32, #tpu.memory_space<hbm>> -> memref<512x64xf32, #tpu.memory_space<hbm>>
      %dma_start3A_245 = arith.constant 144 : i32
      %dma_start3A_246 = tpu.memref_slice %arg9[%mul3A_2, %dma_start3A_245] : memref<16384x256xf32, #tpu.memory_space<hbm>> -> memref<512x64xf32, #tpu.memory_space<hbm>>
      tpu.enqueue_dma source(%arg15 : memref<512x64xf32, #tpu.memory_space<vmem>>) target(%dma_start3A_246 : memref<512x64xf32, #tpu.memory_space<hbm>>) target_semaphore(%run_scoped3A : memref<!tpu.dma_semaphore, #tpu.memory_space<semaphore_mem>>)
      %dma_wait3A_247 = arith.constant 144 : i32
      %dma_wait3A_248 = tpu.memref_slice %arg9[%mul3A_2, %dma_wait3A_247] : memref<16384x256xf32, #tpu.memory_space<hbm>> -> memref<512x64xf32, #tpu.memory_space<hbm>>
      %dma_wait3A_249 = arith.constant 144 : i32
      %dma_wait3A_250 = tpu.memref_slice %arg9[%mul3A_2, %dma_wait3A_249] : memref<16384x256xf32, #tpu.memory_space<hbm>> -> memref<512x64xf32, #tpu.memory_space<hbm>>
      tpu.wait_dma2 semaphore(%run_scoped3A : memref<!tpu.dma_semaphore, #tpu.memory_space<semaphore_mem>>) src(%arg15 : memref<512x64xf32, #tpu.memory_space<vmem>>) dst(%dma_wait3A_250 : memref<512x64xf32, #tpu.memory_space<hbm>>)
      tpu.yield
    }) : () -> ()
    return
  }
}

module attributes {stable_mosaic.version = 14 : i64} {
  func.func @_mlp_body(%arg0: i32, %arg1: i32, %arg2: memref<16384x256xf32, #tpu.memory_space<any>>, %arg3: memref<208x512xbf16, #tpu.memory_space<vmem>>, %arg4: memref<1x512xf32, #tpu.memory_space<vmem>>, %arg5: memref<1x512xf32, #tpu.memory_space<vmem>>, %arg6: memref<1x512xf32, #tpu.memory_space<vmem>>, %arg7: memref<512x256xbf16, #tpu.memory_space<vmem>>, %arg8: memref<1x256xf32, #tpu.memory_space<vmem>>, %arg9: memref<1x256xf32, #tpu.memory_space<vmem>>, %arg10: memref<1x256xf32, #tpu.memory_space<vmem>>, %arg11: memref<256x128xbf16, #tpu.memory_space<vmem>>, %arg12: memref<1x128xf32, #tpu.memory_space<vmem>>, %arg13: memref<128x128xbf16, #tpu.memory_space<vmem>>, %arg14: memref<1x128xf32, #tpu.memory_space<vmem>>, %arg15: memref<1024x128xf32, #tpu.memory_space<vmem>>, %arg16: memref<2x512xf32, #tpu.memory_space<vmem>>, %arg17: memref<2x256xf32, #tpu.memory_space<vmem>>, %arg18: memref<16384x256xf32, #tpu.memory_space<vmem>>, %arg19: memref<2x1024x256xf32, #tpu.memory_space<vmem>>, %arg20: memref<2x!tpu.dma_semaphore, #tpu.memory_space<semaphore_mem>>) attributes {dimension_semantics = [#tpu.dimension_semantics<arbitrary>, #tpu.dimension_semantics<arbitrary>], iteration_bounds = array<i64: 3, 16>, scalar_prefetch = 0 : i64, scratch_operands = 5 : i64, tpu.core_type = #tpu.core_type<tc>, window_params = [{}, {pipeline_mode = #tpu.pipeline_mode<synchronous>, transform_indices = @transform_1, window_bounds = array<i64: 208, 512>}, {pipeline_mode = #tpu.pipeline_mode<synchronous>, transform_indices = @transform_2, window_bounds = array<i64: 1, 512>}, {pipeline_mode = #tpu.pipeline_mode<synchronous>, transform_indices = @transform_3, window_bounds = array<i64: 1, 512>}, {pipeline_mode = #tpu.pipeline_mode<synchronous>, transform_indices = @transform_4, window_bounds = array<i64: 1, 512>}, {pipeline_mode = #tpu.pipeline_mode<synchronous>, transform_indices = @transform_5, window_bounds = array<i64: 512, 256>}, {pipeline_mode = #tpu.pipeline_mode<synchronous>, transform_indices = @transform_6, window_bounds = array<i64: 1, 256>}, {pipeline_mode = #tpu.pipeline_mode<synchronous>, transform_indices = @transform_7, window_bounds = array<i64: 1, 256>}, {pipeline_mode = #tpu.pipeline_mode<synchronous>, transform_indices = @transform_8, window_bounds = array<i64: 1, 256>}, {pipeline_mode = #tpu.pipeline_mode<synchronous>, transform_indices = @transform_9, window_bounds = array<i64: 256, 128>}, {pipeline_mode = #tpu.pipeline_mode<synchronous>, transform_indices = @transform_10, window_bounds = array<i64: 1, 128>}, {pipeline_mode = #tpu.pipeline_mode<synchronous>, transform_indices = @transform_11, window_bounds = array<i64: 128, 128>}, {pipeline_mode = #tpu.pipeline_mode<synchronous>, transform_indices = @transform_12, window_bounds = array<i64: 1, 128>}, {transform_indices = @transform_13, window_bounds = array<i64: 1024, 128>}]} {
    %mul3A = arith.constant 16 : i32
    %mul3A_0 = arith.muli %arg0, %mul3A : i32
    %add3A = arith.addi %mul3A_0, %arg1 : i32
    %eq3A = arith.constant 0 : i32
    %eq3A_1 = arith.cmpi eq, %add3A, %eq3A : i32
    %convert_element_type3A = arith.extui %eq3A_1 : i1 to i32
    %cond3A = arith.constant 0 : i32
    %cond3A_2 = arith.cmpi ne, %convert_element_type3A, %cond3A : i32
    scf.if %cond3A_2 {
      %rem3A_42 = arith.constant 2 : i32
      %rem3A_43 = arith.remsi %add3A, %rem3A_42 : i32
      %rem3A_44 = arith.constant 16 : i32
      %rem3A_45 = arith.remsi %add3A, %rem3A_44 : i32
      %lt3A_46 = arith.constant 32 : i32
      %lt3A_47 = arith.cmpi slt, %add3A, %lt3A_46 : i32
      %convert_element_type3A_48 = arith.extui %lt3A_47 : i1 to i32
      %cond3A_49 = arith.constant 0 : i32
      %cond3A_50 = arith.cmpi ne, %convert_element_type3A_48, %cond3A_49 : i32
      scf.if %cond3A_50 {
        %mul3A_51 = arith.constant 1024 : i32
        %mul3A_52 = arith.muli %rem3A_45, %mul3A_51 : i32
        %dma_start3A = tpu.memref_slice %arg20[%rem3A_43] : memref<2x!tpu.dma_semaphore, #tpu.memory_space<semaphore_mem>> -> memref<1x!tpu.dma_semaphore, #tpu.memory_space<semaphore_mem>>
        %dma_start3A_53 = tpu.memref_squeeze %dma_start3A : memref<1x!tpu.dma_semaphore, #tpu.memory_space<semaphore_mem>> -> memref<!tpu.dma_semaphore, #tpu.memory_space<semaphore_mem>>
        %dma_start3A_54 = arith.constant 0 : i32
        %dma_start3A_55 = arith.constant 0 : i32
        %dma_start3A_56 = tpu.memref_slice %arg19[%rem3A_43, %dma_start3A_54, %dma_start3A_55] : memref<2x1024x256xf32, #tpu.memory_space<vmem>> -> memref<1x1024x256xf32, #tpu.memory_space<vmem>>
        %dma_start3A_57 = tpu.memref_squeeze %dma_start3A_56 : memref<1x1024x256xf32, #tpu.memory_space<vmem>> -> memref<1024x256xf32, #tpu.memory_space<vmem>>
        %dma_start3A_58 = arith.constant 0 : i32
        %dma_start3A_59 = tpu.memref_slice %arg2[%mul3A_52, %dma_start3A_58] : memref<16384x256xf32, #tpu.memory_space<any>> -> memref<1024x256xf32, #tpu.memory_space<any>>
        tpu.enqueue_dma source(%dma_start3A_59 : memref<1024x256xf32, #tpu.memory_space<any>>) target(%dma_start3A_57 : memref<1024x256xf32, #tpu.memory_space<vmem>>) target_semaphore(%dma_start3A_53 : memref<!tpu.dma_semaphore, #tpu.memory_space<semaphore_mem>>)
      } else {
      }
    } else {
    }
    %add3A_3 = arith.constant 1 : i32
    %add3A_4 = arith.addi %add3A, %add3A_3 : i32
    %rem3A = arith.constant 2 : i32
    %rem3A_5 = arith.remsi %add3A_4, %rem3A : i32
    %rem3A_6 = arith.constant 16 : i32
    %rem3A_7 = arith.remsi %add3A_4, %rem3A_6 : i32
    %lt3A = arith.constant 32 : i32
    %lt3A_8 = arith.cmpi slt, %add3A_4, %lt3A : i32
    %convert_element_type3A_9 = arith.extui %lt3A_8 : i1 to i32
    %cond3A_10 = arith.constant 0 : i32
    %cond3A_11 = arith.cmpi ne, %convert_element_type3A_9, %cond3A_10 : i32
    scf.if %cond3A_11 {
      %mul3A_42 = arith.constant 1024 : i32
      %mul3A_43 = arith.muli %rem3A_7, %mul3A_42 : i32
      %dma_start3A = tpu.memref_slice %arg20[%rem3A_5] : memref<2x!tpu.dma_semaphore, #tpu.memory_space<semaphore_mem>> -> memref<1x!tpu.dma_semaphore, #tpu.memory_space<semaphore_mem>>
      %dma_start3A_44 = tpu.memref_squeeze %dma_start3A : memref<1x!tpu.dma_semaphore, #tpu.memory_space<semaphore_mem>> -> memref<!tpu.dma_semaphore, #tpu.memory_space<semaphore_mem>>
      %dma_start3A_45 = arith.constant 0 : i32
      %dma_start3A_46 = arith.constant 0 : i32
      %dma_start3A_47 = tpu.memref_slice %arg19[%rem3A_5, %dma_start3A_45, %dma_start3A_46] : memref<2x1024x256xf32, #tpu.memory_space<vmem>> -> memref<1x1024x256xf32, #tpu.memory_space<vmem>>
      %dma_start3A_48 = tpu.memref_squeeze %dma_start3A_47 : memref<1x1024x256xf32, #tpu.memory_space<vmem>> -> memref<1024x256xf32, #tpu.memory_space<vmem>>
      %dma_start3A_49 = arith.constant 0 : i32
      %dma_start3A_50 = tpu.memref_slice %arg2[%mul3A_43, %dma_start3A_49] : memref<16384x256xf32, #tpu.memory_space<any>> -> memref<1024x256xf32, #tpu.memory_space<any>>
      tpu.enqueue_dma source(%dma_start3A_50 : memref<1024x256xf32, #tpu.memory_space<any>>) target(%dma_start3A_48 : memref<1024x256xf32, #tpu.memory_space<vmem>>) target_semaphore(%dma_start3A_44 : memref<!tpu.dma_semaphore, #tpu.memory_space<semaphore_mem>>)
    } else {
    }
    %eq3A_12 = arith.constant 0 : i32
    %eq3A_13 = arith.cmpi eq, %arg0, %eq3A_12 : i32
    %eq3A_14 = arith.constant 0 : i32
    %eq3A_15 = arith.cmpi eq, %arg1, %eq3A_14 : i32
    %and3A = arith.andi %eq3A_13, %eq3A_15 : i1
    %convert_element_type3A_16 = arith.extui %and3A : i1 to i32
    %cond3A_17 = arith.constant 0 : i32
    %cond3A_18 = arith.cmpi ne, %convert_element_type3A_16, %cond3A_17 : i32
    scf.if %cond3A_18 {
      %broadcast_in_dim3A = arith.constant 0.000000e+00 : f32
      %broadcast_in_dim3A_42 = vector.broadcast %broadcast_in_dim3A : f32 to vector<2x512xf32>
      %swap3A = arith.constant 0 : index
      %swap3A_43 = arith.constant 0 : index
      %swap3A_44 = vector.load %arg16[%swap3A, %swap3A_43] : memref<2x512xf32, #tpu.memory_space<vmem>>, vector<2x512xf32>
      tpu.vector_store %arg16[%swap3A, %swap3A_43], %broadcast_in_dim3A_42 {strides = array<i32>} : memref<2x512xf32, #tpu.memory_space<vmem>>, vector<2x512xf32>,
    } else {
    }
    %eq3A_19 = arith.constant 0 : i32
    %eq3A_20 = arith.cmpi eq, %arg0, %eq3A_19 : i32
    %convert_element_type3A_21 = arith.extui %eq3A_20 : i1 to i32
    %cond3A_22 = arith.constant 0 : i32
    %cond3A_23 = arith.cmpi ne, %convert_element_type3A_21, %cond3A_22 : i32
    scf.if %cond3A_23 {
      %rem3A_42 = arith.constant 2 : i32
      %rem3A_43 = arith.remsi %add3A, %rem3A_42 : i32
      %mul3A_44 = arith.constant 1024 : i32
      %mul3A_45 = arith.muli %arg1, %mul3A_44 : i32
      %dma_wait3A = tpu.memref_slice %arg20[%rem3A_43] : memref<2x!tpu.dma_semaphore, #tpu.memory_space<semaphore_mem>> -> memref<1x!tpu.dma_semaphore, #tpu.memory_space<semaphore_mem>>
      %dma_wait3A_46 = tpu.memref_squeeze %dma_wait3A : memref<1x!tpu.dma_semaphore, #tpu.memory_space<semaphore_mem>> -> memref<!tpu.dma_semaphore, #tpu.memory_space<semaphore_mem>>
      %dma_wait3A_47 = arith.constant 0 : i32
      %dma_wait3A_48 = arith.constant 0 : i32
      %dma_wait3A_49 = tpu.memref_slice %arg19[%rem3A_43, %dma_wait3A_47, %dma_wait3A_48] : memref<2x1024x256xf32, #tpu.memory_space<vmem>> -> memref<1x1024x256xf32, #tpu.memory_space<vmem>>
      %dma_wait3A_50 = tpu.memref_squeeze %dma_wait3A_49 : memref<1x1024x256xf32, #tpu.memory_space<vmem>> -> memref<1024x256xf32, #tpu.memory_space<vmem>>
      %dma_wait3A_51 = arith.constant 0 : i32
      %dma_wait3A_52 = tpu.memref_slice %arg2[%mul3A_45, %dma_wait3A_51] : memref<16384x256xf32, #tpu.memory_space<any>> -> memref<1024x256xf32, #tpu.memory_space<any>>
      tpu.wait_dma2 semaphore(%dma_wait3A_46 : memref<!tpu.dma_semaphore, #tpu.memory_space<semaphore_mem>>) src(%dma_wait3A_52 : memref<1024x256xf32, #tpu.memory_space<any>>) dst(%dma_wait3A_50 : memref<1024x256xf32, #tpu.memory_space<vmem>>)
      %get3A = arith.index_cast %rem3A_43 : i32 to index
      %get3A_53 = arith.constant 0 : index
      %get3A_54 = arith.constant 0 : index
      %get3A_55 = vector.load %arg19[%get3A, %get3A_53, %get3A_54] : memref<2x1024x256xf32, #tpu.memory_space<vmem>>, vector<1x1024x256xf32>
      %get3A_56 = vector.shape_cast %get3A_55 : vector<1x1024x256xf32> to vector<1024x256xf32>
      %slice3A = vector.extract_strided_slice %get3A_56 {offsets = [0, 0], sizes = [1024, 208], strides = [1, 1]} : vector<1024x256xf32> to vector<1024x208xf32>
      %convert_element_type3A_57 = arith.truncf %slice3A : vector<1024x208xf32> to vector<1024x208xbf16>
      %get3A_58 = arith.constant 0 : index
      %get3A_59 = arith.constant 0 : index
      %get3A_60 = vector.load %arg3[%get3A_58, %get3A_59] : memref<208x512xbf16, #tpu.memory_space<vmem>>, vector<208x512xbf16>
      %dot_general3A = arith.constant dense<0.000000e+00> : vector<1024x512xf32>
      %dot_general3A_61 = tpu.matmul %convert_element_type3A_57, %get3A_60, %dot_general3A {dimension_numbers = #tpu.dot_dimension_numbers<[1], [0], [0], [1], [0, 0, 1, 1], [], []>, transpose_lhs_hint = false} : vector<1024x208xbf16>, vector<208x512xbf16>, vector<1024x512xf32> -> vector<1024x512xf32>
      %get3A_62 = arith.constant 0 : index
      %get3A_63 = arith.constant 0 : index
      %get3A_64 = vector.load %arg4[%get3A_62, %get3A_63] : memref<1x512xf32, #tpu.memory_space<vmem>>, vector<1x512xf32>
      %add3A_65 = vector.broadcast %get3A_64 : vector<1x512xf32> to vector<1024x512xf32>
      %add3A_66 = arith.addf %dot_general3A_61, %add3A_65 : vector<1024x512xf32>
      %max3A = arith.constant 0.000000e+00 : f32
      %max3A_67 = vector.broadcast %max3A : f32 to vector<1024x512xf32>
      %max3A_68 = arith.maximumf %add3A_66, %max3A_67 : vector<1024x512xf32>
      %get3A_69 = arith.constant 0 : index
      %get3A_70 = arith.constant 0 : index
      %get3A_71 = vector.load %arg16[%get3A_69, %get3A_70] : memref<2x512xf32, #tpu.memory_space<vmem>>, vector<1x512xf32>
      %reduce_sum3A = arith.constant dense<0.000000e+00> : vector<512xf32>
      %reduce_sum3A_72 = vector.multi_reduction <add>, %max3A_68, %reduce_sum3A [0] : vector<1024x512xf32> to vector<512xf32>
      %broadcast_in_dim3A = vector.shape_cast %reduce_sum3A_72 : vector<512xf32> to vector<1x512xf32>
      %add3A_73 = arith.addf %get3A_71, %broadcast_in_dim3A : vector<1x512xf32>
      %swap3A = arith.constant 0 : index
      %swap3A_74 = arith.constant 0 : index
      %swap3A_75 = vector.load %arg16[%swap3A, %swap3A_74] : memref<2x512xf32, #tpu.memory_space<vmem>>, vector<1x512xf32>
      tpu.vector_store %arg16[%swap3A, %swap3A_74], %add3A_73 {strides = array<i32>} : memref<2x512xf32, #tpu.memory_space<vmem>>, vector<1x512xf32>,
      %get3A_76 = arith.constant 1 : index
      %get3A_77 = arith.constant 0 : index
      %get3A_78 = vector.load %arg16[%get3A_76, %get3A_77] : memref<2x512xf32, #tpu.memory_space<vmem>>, vector<1x512xf32>
      %mul3A_79 = arith.mulf %max3A_68, %max3A_68 : vector<1024x512xf32>
      %reduce_sum3A_80 = arith.constant dense<0.000000e+00> : vector<512xf32>
      %reduce_sum3A_81 = vector.multi_reduction <add>, %mul3A_79, %reduce_sum3A_80 [0] : vector<1024x512xf32> to vector<512xf32>
      %broadcast_in_dim3A_82 = vector.shape_cast %reduce_sum3A_81 : vector<512xf32> to vector<1x512xf32>
      %add3A_83 = arith.addf %get3A_78, %broadcast_in_dim3A_82 : vector<1x512xf32>
      %swap3A_84 = arith.constant 1 : index
      %swap3A_85 = arith.constant 0 : index
      %swap3A_86 = vector.load %arg16[%swap3A_84, %swap3A_85] : memref<2x512xf32, #tpu.memory_space<vmem>>, vector<1x512xf32>
      tpu.vector_store %arg16[%swap3A_84, %swap3A_85], %add3A_83 {strides = array<i32>} : memref<2x512xf32, #tpu.memory_space<vmem>>, vector<1x512xf32>,
    } else {
    }
    %eq3A_24 = arith.constant 1 : i32
    %eq3A_25 = arith.cmpi eq, %arg0, %eq3A_24 : i32
    %eq3A_26 = arith.constant 0 : i32
    %eq3A_27 = arith.cmpi eq, %arg1, %eq3A_26 : i32
    %and3A_28 = arith.andi %eq3A_25, %eq3A_27 : i1
    %convert_element_type3A_29 = arith.extui %and3A_28 : i1 to i32
    %cond3A_30 = arith.constant 0 : i32
    %cond3A_31 = arith.cmpi ne, %convert_element_type3A_29, %cond3A_30 : i32
    scf.if %cond3A_31 {
      %broadcast_in_dim3A = arith.constant 0.000000e+00 : f32
      %broadcast_in_dim3A_42 = vector.broadcast %broadcast_in_dim3A : f32 to vector<2x256xf32>
      %swap3A = arith.constant 0 : index
      %swap3A_43 = arith.constant 0 : index
      %swap3A_44 = vector.load %arg17[%swap3A, %swap3A_43] : memref<2x256xf32, #tpu.memory_space<vmem>>, vector<2x256xf32>
      tpu.vector_store %arg17[%swap3A, %swap3A_43], %broadcast_in_dim3A_42 {strides = array<i32>} : memref<2x256xf32, #tpu.memory_space<vmem>>, vector<2x256xf32>,
    } else {
    }
    %eq3A_32 = arith.constant 1 : i32
    %eq3A_33 = arith.cmpi eq, %arg0, %eq3A_32 : i32
    %convert_element_type3A_34 = arith.extui %eq3A_33 : i1 to i32
    %cond3A_35 = arith.constant 0 : i32
    %cond3A_36 = arith.cmpi ne, %convert_element_type3A_34, %cond3A_35 : i32
    scf.if %cond3A_36 {
      %rem3A_42 = arith.constant 2 : i32
      %rem3A_43 = arith.remsi %add3A, %rem3A_42 : i32
      %mul3A_44 = arith.constant 1024 : i32
      %mul3A_45 = arith.muli %arg1, %mul3A_44 : i32
      %dma_wait3A = tpu.memref_slice %arg20[%rem3A_43] : memref<2x!tpu.dma_semaphore, #tpu.memory_space<semaphore_mem>> -> memref<1x!tpu.dma_semaphore, #tpu.memory_space<semaphore_mem>>
      %dma_wait3A_46 = tpu.memref_squeeze %dma_wait3A : memref<1x!tpu.dma_semaphore, #tpu.memory_space<semaphore_mem>> -> memref<!tpu.dma_semaphore, #tpu.memory_space<semaphore_mem>>
      %dma_wait3A_47 = arith.constant 0 : i32
      %dma_wait3A_48 = arith.constant 0 : i32
      %dma_wait3A_49 = tpu.memref_slice %arg19[%rem3A_43, %dma_wait3A_47, %dma_wait3A_48] : memref<2x1024x256xf32, #tpu.memory_space<vmem>> -> memref<1x1024x256xf32, #tpu.memory_space<vmem>>
      %dma_wait3A_50 = tpu.memref_squeeze %dma_wait3A_49 : memref<1x1024x256xf32, #tpu.memory_space<vmem>> -> memref<1024x256xf32, #tpu.memory_space<vmem>>
      %dma_wait3A_51 = arith.constant 0 : i32
      %dma_wait3A_52 = tpu.memref_slice %arg2[%mul3A_45, %dma_wait3A_51] : memref<16384x256xf32, #tpu.memory_space<any>> -> memref<1024x256xf32, #tpu.memory_space<any>>
      tpu.wait_dma2 semaphore(%dma_wait3A_46 : memref<!tpu.dma_semaphore, #tpu.memory_space<semaphore_mem>>) src(%dma_wait3A_52 : memref<1024x256xf32, #tpu.memory_space<any>>) dst(%dma_wait3A_50 : memref<1024x256xf32, #tpu.memory_space<vmem>>)
      %get3A = arith.index_cast %rem3A_43 : i32 to index
      %get3A_53 = arith.constant 0 : index
      %get3A_54 = arith.constant 0 : index
      %get3A_55 = vector.load %arg19[%get3A, %get3A_53, %get3A_54] : memref<2x1024x256xf32, #tpu.memory_space<vmem>>, vector<1x1024x256xf32>
      %get3A_56 = vector.shape_cast %get3A_55 : vector<1x1024x256xf32> to vector<1024x256xf32>
      %slice3A = vector.extract_strided_slice %get3A_56 {offsets = [0, 0], sizes = [1024, 208], strides = [1, 1]} : vector<1024x256xf32> to vector<1024x208xf32>
      %convert_element_type3A_57 = arith.truncf %slice3A : vector<1024x208xf32> to vector<1024x208xbf16>
      %get3A_58 = arith.constant 0 : index
      %get3A_59 = arith.constant 0 : index
      %get3A_60 = vector.load %arg3[%get3A_58, %get3A_59] : memref<208x512xbf16, #tpu.memory_space<vmem>>, vector<208x512xbf16>
      %dot_general3A = arith.constant dense<0.000000e+00> : vector<1024x512xf32>
      %dot_general3A_61 = tpu.matmul %convert_element_type3A_57, %get3A_60, %dot_general3A {dimension_numbers = #tpu.dot_dimension_numbers<[1], [0], [0], [1], [0, 0, 1, 1], [], []>, transpose_lhs_hint = false} : vector<1024x208xbf16>, vector<208x512xbf16>, vector<1024x512xf32> -> vector<1024x512xf32>
      %get3A_62 = arith.constant 0 : index
      %get3A_63 = arith.constant 0 : index
      %get3A_64 = vector.load %arg4[%get3A_62, %get3A_63] : memref<1x512xf32, #tpu.memory_space<vmem>>, vector<1x512xf32>
      %add3A_65 = vector.broadcast %get3A_64 : vector<1x512xf32> to vector<1024x512xf32>
      %add3A_66 = arith.addf %dot_general3A_61, %add3A_65 : vector<1024x512xf32>
      %max3A = arith.constant 0.000000e+00 : f32
      %max3A_67 = vector.broadcast %max3A : f32 to vector<1024x512xf32>
      %max3A_68 = arith.maximumf %add3A_66, %max3A_67 : vector<1024x512xf32>
      %get3A_69 = arith.constant 0 : index
      %get3A_70 = arith.constant 0 : index
      %get3A_71 = vector.load %arg16[%get3A_69, %get3A_70] : memref<2x512xf32, #tpu.memory_space<vmem>>, vector<1x512xf32>
      %mul3A_72 = arith.constant 6.10351563E-5 : f32
      %mul3A_73 = vector.broadcast %mul3A_72 : f32 to vector<1x512xf32>
      %mul3A_74 = arith.mulf %get3A_71, %mul3A_73 : vector<1x512xf32>
      %get3A_75 = arith.constant 1 : index
      %get3A_76 = arith.constant 0 : index
      %get3A_77 = vector.load %arg16[%get3A_75, %get3A_76] : memref<2x512xf32, #tpu.memory_space<vmem>>, vector<1x512xf32>
      %mul3A_78 = arith.constant 6.10351563E-5 : f32
      %mul3A_79 = vector.broadcast %mul3A_78 : f32 to vector<1x512xf32>
      %mul3A_80 = arith.mulf %get3A_77, %mul3A_79 : vector<1x512xf32>
      %mul3A_81 = arith.mulf %mul3A_74, %mul3A_74 : vector<1x512xf32>
      %sub3A = arith.subf %mul3A_80, %mul3A_81 : vector<1x512xf32>
      %get3A_82 = arith.constant 0 : index
      %get3A_83 = arith.constant 0 : index
      %get3A_84 = vector.load %arg5[%get3A_82, %get3A_83] : memref<1x512xf32, #tpu.memory_space<vmem>>, vector<1x512xf32>
      %add3A_85 = arith.constant 9.99999974E-6 : f32
      %add3A_86 = vector.broadcast %add3A_85 : f32 to vector<1x512xf32>
      %add3A_87 = arith.addf %sub3A, %add3A_86 : vector<1x512xf32>
      %rsqrt3A = math.rsqrt %add3A_87 : vector<1x512xf32>
      %mul3A_88 = arith.mulf %get3A_84, %rsqrt3A : vector<1x512xf32>
      %get3A_89 = arith.constant 0 : index
      %get3A_90 = arith.constant 0 : index
      %get3A_91 = vector.load %arg6[%get3A_89, %get3A_90] : memref<1x512xf32, #tpu.memory_space<vmem>>, vector<1x512xf32>
      %mul3A_92 = arith.mulf %mul3A_74, %mul3A_88 : vector<1x512xf32>
      %sub3A_93 = arith.subf %get3A_91, %mul3A_92 : vector<1x512xf32>
      %mul3A_94 = vector.broadcast %mul3A_88 : vector<1x512xf32> to vector<1024x512xf32>
      %mul3A_95 = arith.mulf %max3A_68, %mul3A_94 : vector<1024x512xf32>
      %add3A_96 = vector.broadcast %sub3A_93 : vector<1x512xf32> to vector<1024x512xf32>
      %add3A_97 = arith.addf %mul3A_95, %add3A_96 : vector<1024x512xf32>
      %convert_element_type3A_98 = arith.truncf %add3A_97 : vector<1024x512xf32> to vector<1024x512xbf16>
      %get3A_99 = arith.constant 0 : index
      %get3A_100 = arith.constant 0 : index
      %get3A_101 = vector.load %arg7[%get3A_99, %get3A_100] : memref<512x256xbf16, #tpu.memory_space<vmem>>, vector<512x256xbf16>
      %dot_general3A_102 = arith.constant dense<0.000000e+00> : vector<1024x256xf32>
      %dot_general3A_103 = tpu.matmul %convert_element_type3A_98, %get3A_101, %dot_general3A_102 {dimension_numbers = #tpu.dot_dimension_numbers<[1], [0], [0], [1], [0, 0, 1, 1], [], []>, transpose_lhs_hint = false} : vector<1024x512xbf16>, vector<512x256xbf16>, vector<1024x256xf32> -> vector<1024x256xf32>
      %get3A_104 = arith.constant 0 : index
      %get3A_105 = arith.constant 0 : index
      %get3A_106 = vector.load %arg8[%get3A_104, %get3A_105] : memref<1x256xf32, #tpu.memory_space<vmem>>, vector<1x256xf32>
      %add3A_107 = vector.broadcast %get3A_106 : vector<1x256xf32> to vector<1024x256xf32>
      %add3A_108 = arith.addf %dot_general3A_103, %add3A_107 : vector<1024x256xf32>
      %max3A_109 = arith.constant 0.000000e+00 : f32
      %max3A_110 = vector.broadcast %max3A_109 : f32 to vector<1024x256xf32>
      %max3A_111 = arith.maximumf %add3A_108, %max3A_110 : vector<1024x256xf32>
      %mul3A_112 = arith.constant 1024 : i32
      %mul3A_113 = arith.muli %arg1, %mul3A_112 : i32
      %swap3A = arith.index_cast %mul3A_113 : i32 to index
      %swap3A_114 = arith.constant 0 : index
      %swap3A_115 = vector.load %arg18[%swap3A, %swap3A_114] : memref<16384x256xf32, #tpu.memory_space<vmem>>, vector<1024x256xf32>
      tpu.vector_store %arg18[%swap3A, %swap3A_114], %max3A_111 {strides = array<i32>} : memref<16384x256xf32, #tpu.memory_space<vmem>>, vector<1024x256xf32>,
      %get3A_116 = arith.constant 0 : index
      %get3A_117 = arith.constant 0 : index
      %get3A_118 = vector.load %arg17[%get3A_116, %get3A_117] : memref<2x256xf32, #tpu.memory_space<vmem>>, vector<1x256xf32>
      %reduce_sum3A = arith.constant dense<0.000000e+00> : vector<256xf32>
      %reduce_sum3A_119 = vector.multi_reduction <add>, %max3A_111, %reduce_sum3A [0] : vector<1024x256xf32> to vector<256xf32>
      %broadcast_in_dim3A = vector.shape_cast %reduce_sum3A_119 : vector<256xf32> to vector<1x256xf32>
      %add3A_120 = arith.addf %get3A_118, %broadcast_in_dim3A : vector<1x256xf32>
      %swap3A_121 = arith.constant 0 : index
      %swap3A_122 = arith.constant 0 : index
      %swap3A_123 = vector.load %arg17[%swap3A_121, %swap3A_122] : memref<2x256xf32, #tpu.memory_space<vmem>>, vector<1x256xf32>
      tpu.vector_store %arg17[%swap3A_121, %swap3A_122], %add3A_120 {strides = array<i32>} : memref<2x256xf32, #tpu.memory_space<vmem>>, vector<1x256xf32>,
      %get3A_124 = arith.constant 1 : index
      %get3A_125 = arith.constant 0 : index
      %get3A_126 = vector.load %arg17[%get3A_124, %get3A_125] : memref<2x256xf32, #tpu.memory_space<vmem>>, vector<1x256xf32>
      %mul3A_127 = arith.mulf %max3A_111, %max3A_111 : vector<1024x256xf32>
      %reduce_sum3A_128 = arith.constant dense<0.000000e+00> : vector<256xf32>
      %reduce_sum3A_129 = vector.multi_reduction <add>, %mul3A_127, %reduce_sum3A_128 [0] : vector<1024x256xf32> to vector<256xf32>
      %broadcast_in_dim3A_130 = vector.shape_cast %reduce_sum3A_129 : vector<256xf32> to vector<1x256xf32>
      %add3A_131 = arith.addf %get3A_126, %broadcast_in_dim3A_130 : vector<1x256xf32>
      %swap3A_132 = arith.constant 1 : index
      %swap3A_133 = arith.constant 0 : index
      %swap3A_134 = vector.load %arg17[%swap3A_132, %swap3A_133] : memref<2x256xf32, #tpu.memory_space<vmem>>, vector<1x256xf32>
      tpu.vector_store %arg17[%swap3A_132, %swap3A_133], %add3A_131 {strides = array<i32>} : memref<2x256xf32, #tpu.memory_space<vmem>>, vector<1x256xf32>,
    } else {
    }
    %eq3A_37 = arith.constant 2 : i32
    %eq3A_38 = arith.cmpi eq, %arg0, %eq3A_37 : i32
    %convert_element_type3A_39 = arith.extui %eq3A_38 : i1 to i32
    %cond3A_40 = arith.constant 0 : i32
    %cond3A_41 = arith.cmpi ne, %convert_element_type3A_39, %cond3A_40 : i32
    scf.if %cond3A_41 {
      %mul3A_42 = arith.constant 1024 : i32
      %mul3A_43 = arith.muli %arg1, %mul3A_42 : i32
      %get3A = arith.index_cast %mul3A_43 : i32 to index
      %get3A_44 = arith.constant 0 : index
      %get3A_45 = vector.load %arg18[%get3A, %get3A_44] : memref<16384x256xf32, #tpu.memory_space<vmem>>, vector<1024x256xf32>
      %get3A_46 = arith.constant 0 : index
      %get3A_47 = arith.constant 0 : index
      %get3A_48 = vector.load %arg17[%get3A_46, %get3A_47] : memref<2x256xf32, #tpu.memory_space<vmem>>, vector<1x256xf32>
      %mul3A_49 = arith.constant 6.10351563E-5 : f32
      %mul3A_50 = vector.broadcast %mul3A_49 : f32 to vector<1x256xf32>
      %mul3A_51 = arith.mulf %get3A_48, %mul3A_50 : vector<1x256xf32>
      %get3A_52 = arith.constant 1 : index
      %get3A_53 = arith.constant 0 : index
      %get3A_54 = vector.load %arg17[%get3A_52, %get3A_53] : memref<2x256xf32, #tpu.memory_space<vmem>>, vector<1x256xf32>
      %mul3A_55 = arith.constant 6.10351563E-5 : f32
      %mul3A_56 = vector.broadcast %mul3A_55 : f32 to vector<1x256xf32>
      %mul3A_57 = arith.mulf %get3A_54, %mul3A_56 : vector<1x256xf32>
      %mul3A_58 = arith.mulf %mul3A_51, %mul3A_51 : vector<1x256xf32>
      %sub3A = arith.subf %mul3A_57, %mul3A_58 : vector<1x256xf32>
      %get3A_59 = arith.constant 0 : index
      %get3A_60 = arith.constant 0 : index
      %get3A_61 = vector.load %arg9[%get3A_59, %get3A_60] : memref<1x256xf32, #tpu.memory_space<vmem>>, vector<1x256xf32>
      %add3A_62 = arith.constant 9.99999974E-6 : f32
      %add3A_63 = vector.broadcast %add3A_62 : f32 to vector<1x256xf32>
      %add3A_64 = arith.addf %sub3A, %add3A_63 : vector<1x256xf32>
      %rsqrt3A = math.rsqrt %add3A_64 : vector<1x256xf32>
      %mul3A_65 = arith.mulf %get3A_61, %rsqrt3A : vector<1x256xf32>
      %get3A_66 = arith.constant 0 : index
      %get3A_67 = arith.constant 0 : index
      %get3A_68 = vector.load %arg10[%get3A_66, %get3A_67] : memref<1x256xf32, #tpu.memory_space<vmem>>, vector<1x256xf32>
      %mul3A_69 = arith.mulf %mul3A_51, %mul3A_65 : vector<1x256xf32>
      %sub3A_70 = arith.subf %get3A_68, %mul3A_69 : vector<1x256xf32>
      %mul3A_71 = vector.broadcast %mul3A_65 : vector<1x256xf32> to vector<1024x256xf32>
      %mul3A_72 = arith.mulf %get3A_45, %mul3A_71 : vector<1024x256xf32>
      %add3A_73 = vector.broadcast %sub3A_70 : vector<1x256xf32> to vector<1024x256xf32>
      %add3A_74 = arith.addf %mul3A_72, %add3A_73 : vector<1024x256xf32>
      %convert_element_type3A_75 = arith.truncf %add3A_74 : vector<1024x256xf32> to vector<1024x256xbf16>
      %get3A_76 = arith.constant 0 : index
      %get3A_77 = arith.constant 0 : index
      %get3A_78 = vector.load %arg11[%get3A_76, %get3A_77] : memref<256x128xbf16, #tpu.memory_space<vmem>>, vector<256x128xbf16>
      %dot_general3A = arith.constant dense<0.000000e+00> : vector<1024x128xf32>
      %dot_general3A_79 = tpu.matmul %convert_element_type3A_75, %get3A_78, %dot_general3A {dimension_numbers = #tpu.dot_dimension_numbers<[1], [0], [0], [1], [0, 0, 1, 1], [], []>, transpose_lhs_hint = false} : vector<1024x256xbf16>, vector<256x128xbf16>, vector<1024x128xf32> -> vector<1024x128xf32>
      %get3A_80 = arith.constant 0 : index
      %get3A_81 = arith.constant 0 : index
      %get3A_82 = vector.load %arg12[%get3A_80, %get3A_81] : memref<1x128xf32, #tpu.memory_space<vmem>>, vector<1x128xf32>
      %add3A_83 = vector.broadcast %get3A_82 : vector<1x128xf32> to vector<1024x128xf32>
      %add3A_84 = arith.addf %dot_general3A_79, %add3A_83 : vector<1024x128xf32>
      %max3A = arith.constant 0.000000e+00 : f32
      %max3A_85 = vector.broadcast %max3A : f32 to vector<1024x128xf32>
      %max3A_86 = arith.maximumf %add3A_84, %max3A_85 : vector<1024x128xf32>
      %convert_element_type3A_87 = arith.truncf %max3A_86 : vector<1024x128xf32> to vector<1024x128xbf16>
      %get3A_88 = arith.constant 0 : index
      %get3A_89 = arith.constant 0 : index
      %get3A_90 = vector.load %arg13[%get3A_88, %get3A_89] : memref<128x128xbf16, #tpu.memory_space<vmem>>, vector<128x128xbf16>
      %dot_general3A_91 = arith.constant dense<0.000000e+00> : vector<1024x128xf32>
      %dot_general3A_92 = tpu.matmul %convert_element_type3A_87, %get3A_90, %dot_general3A_91 {dimension_numbers = #tpu.dot_dimension_numbers<[1], [0], [0], [1], [0, 0, 1, 1], [], []>, transpose_lhs_hint = false} : vector<1024x128xbf16>, vector<128x128xbf16>, vector<1024x128xf32> -> vector<1024x128xf32>
      %get3A_93 = arith.constant 0 : index
      %get3A_94 = arith.constant 0 : index
      %get3A_95 = vector.load %arg14[%get3A_93, %get3A_94] : memref<1x128xf32, #tpu.memory_space<vmem>>, vector<1x128xf32>
      %add3A_96 = vector.broadcast %get3A_95 : vector<1x128xf32> to vector<1024x128xf32>
      %add3A_97 = arith.addf %dot_general3A_92, %add3A_96 : vector<1024x128xf32>
      %swap3A = arith.constant 0 : index
      %swap3A_98 = arith.constant 0 : index
      %swap3A_99 = vector.load %arg15[%swap3A, %swap3A_98] : memref<1024x128xf32, #tpu.memory_space<vmem>>, vector<1024x128xf32>
      tpu.vector_store %arg15[%swap3A, %swap3A_98], %add3A_97 {strides = array<i32>} : memref<1024x128xf32, #tpu.memory_space<vmem>>, vector<1024x128xf32>,
    } else {
    }
    return
  }
  func.func @transform_1(%arg0: i32, %arg1: i32) -> (i32, i32) {
    %c0_i32 = arith.constant 0 : i32
    %c0_i32_0 = arith.constant 0 : i32
    %c0_i32_1 = arith.constant 0 : i32
    return %c0_i32, %c0_i32_0 : i32, i32
  }
  func.func @transform_2(%arg0: i32, %arg1: i32) -> (i32, i32) {
    %c0_i32 = arith.constant 0 : i32
    %c0_i32_0 = arith.constant 0 : i32
    %c0_i32_1 = arith.constant 0 : i32
    return %c0_i32, %c0_i32_0 : i32, i32
  }
  func.func @transform_3(%arg0: i32, %arg1: i32) -> (i32, i32) {
    %c0_i32 = arith.constant 0 : i32
    %c0_i32_0 = arith.constant 0 : i32
    %c0_i32_1 = arith.constant 0 : i32
    return %c0_i32, %c0_i32_0 : i32, i32
  }
  func.func @transform_4(%arg0: i32, %arg1: i32) -> (i32, i32) {
    %c0_i32 = arith.constant 0 : i32
    %c0_i32_0 = arith.constant 0 : i32
    %c0_i32_1 = arith.constant 0 : i32
    return %c0_i32, %c0_i32_0 : i32, i32
  }
  func.func @transform_5(%arg0: i32, %arg1: i32) -> (i32, i32) {
    %c0_i32 = arith.constant 0 : i32
    %c0_i32_0 = arith.constant 0 : i32
    %c0_i32_1 = arith.constant 0 : i32
    return %c0_i32, %c0_i32_0 : i32, i32
  }
  func.func @transform_6(%arg0: i32, %arg1: i32) -> (i32, i32) {
    %c0_i32 = arith.constant 0 : i32
    %c0_i32_0 = arith.constant 0 : i32
    %c0_i32_1 = arith.constant 0 : i32
    return %c0_i32, %c0_i32_0 : i32, i32
  }
  func.func @transform_7(%arg0: i32, %arg1: i32) -> (i32, i32) {
    %c0_i32 = arith.constant 0 : i32
    %c0_i32_0 = arith.constant 0 : i32
    %c0_i32_1 = arith.constant 0 : i32
    return %c0_i32, %c0_i32_0 : i32, i32
  }
  func.func @transform_8(%arg0: i32, %arg1: i32) -> (i32, i32) {
    %c0_i32 = arith.constant 0 : i32
    %c0_i32_0 = arith.constant 0 : i32
    %c0_i32_1 = arith.constant 0 : i32
    return %c0_i32, %c0_i32_0 : i32, i32
  }
  func.func @transform_9(%arg0: i32, %arg1: i32) -> (i32, i32) {
    %c0_i32 = arith.constant 0 : i32
    %c0_i32_0 = arith.constant 0 : i32
    %c0_i32_1 = arith.constant 0 : i32
    return %c0_i32, %c0_i32_0 : i32, i32
  }
  func.func @transform_10(%arg0: i32, %arg1: i32) -> (i32, i32) {
    %c0_i32 = arith.constant 0 : i32
    %c0_i32_0 = arith.constant 0 : i32
    %c0_i32_1 = arith.constant 0 : i32
    return %c0_i32, %c0_i32_0 : i32, i32
  }
  func.func @transform_11(%arg0: i32, %arg1: i32) -> (i32, i32) {
    %c0_i32 = arith.constant 0 : i32
    %c0_i32_0 = arith.constant 0 : i32
    %c0_i32_1 = arith.constant 0 : i32
    return %c0_i32, %c0_i32_0 : i32, i32
  }
  func.func @transform_12(%arg0: i32, %arg1: i32) -> (i32, i32) {
    %c0_i32 = arith.constant 0 : i32
    %c0_i32_0 = arith.constant 0 : i32
    %c0_i32_1 = arith.constant 0 : i32
    return %c0_i32, %c0_i32_0 : i32, i32
  }
  func.func @transform_13(%arg0: i32, %arg1: i32) -> (i32, i32) {
    %c0_i32 = arith.constant 0 : i32
    %c0_i32_0 = arith.constant 0 : i32
    return %arg1, %c0_i32 : i32, i32
  }
}

</mosaic_0001>

<sc_bundles>
// kernel: kernel.4.cloned.1.call-start
scs
__scs_entry_jumppad:
0x0: {  	(pc) =	sbr.rel $0x88, $3  }
0x1: {  	(tag) =	ssettag $0x0;
	lr =	simm.s32 $0x1  }
0x2: {  	[smem:$0x3F8E] =	sst lr;
	_ =	strace $0xD0000000  }
0x3: {  	_ = 	snop  }
0x4: {  	_ = 	snop  }
0x5: {  	_ = 	snop  }
0x6: {  	_ = 	snop  }
0x7: {  	_ = 	snop  }
__scs_overlays_trampoline_lowered:
0x8: {  	[smem:$0x3F9D] =	sst s0  }
0x9: {  	[smem:$0x3F9E] =	sst s1  }
0xa: {  	[smem:$0x3F9F] =	sst s2  }
0xb: {  	[smem:$0x3FA0] =	sst s3  }
0xc: {  	[smem:$0x3FA1] =	sst s4  }
0xd: {  	[smem:$0x3FA2] =	sst s5  }
0xe: {  	[smem:$0x3FA3] =	sst s6  }
0xf: {  	[smem:$0x3FA4] =	sst s7  }
0x10: {  	[smem:$0x3FA5] =	sst s8  }
0x11: {  	[smem:$0x3FA6] =	sst s9;
	s0 =	simm.s32 @!p0 $0x0  }
0x12: {  	s1 =	sld [smem:$0x3F8C];
	s0 =	simm.s32 @p0 $0x1  }
0x13: {  	[smem:$0x3FA7] =	sst s0;
	s0 =	simm.s32 @!p1 $0x0  }
0x14: {  	s2 =	sld [smem:$0x3F8B];
	s0 =	simm.s32 @p1 $0x1  }
0x15: {  	[smem:$0x3FA8] =	sst s0;
	s0 =	simm.s32 @!p2 $0x0  }
0x16: {  	s3 =	sld [smem:$0x3FDB];
	s0 =	simm.s32 @p2 $0x1  }
0x17: {  	s4 =	simm.s32 $0x1BF5;
	[smem:$0x3FAA] =	sst s0  }
0x18: {  	s0 =	sld [smem:$0x3F8D];
	_ =	swait.ge [sflag:s4], $0x0  }
0x19: {  	s7 =	sld [smem:$0x3F8E]  }
0x1a: {  	s8 =	sadd.s32 $0xFFFFE003, lr  }
0x1b: {  	s9 =	sadd.s32 $0xFFFFFEF7, lr;
	s5 =	simm.s32 $0xFFFFFFFF;
	p2 =	slt.u32 s8, $0xFFFFF086  }
0x1c: {  	p1 =	slt.u32 s9, $0xF7A;
	s5 =	simm.s32 @!p2 $0x0  }
0x1d: {  	s5 =	simm.s32 @p1 $0x1;
	p0 =	seq.s32 s7, s2  }
0x1e: {  	s7 =	smul.u32 @!p0 $0xF7A, s2;
	p2 =	seq.s32 @!p0 s5, $0x0  }
0x1f: {  	s9 =	smul.u32 $0xF7A, s1;
	s8 =	simm.s32 @!p0 $0x1BF5;
	p2 =	por !p2, p0  }
0x20: {  	[sflag:s8] =	ssyncset.s32 @!p0 $0xFFFFF086;
	s6 =	sadd.s32 @!p0 s3, s7;
	s7 =	simm.s32 @!p0 $0x108  }
0x21: {  	s3 =	sadd.s32 s3, s9;
	s6 =	sadd.s32 @!p0 $0x88, s6;
	s7 =	simm.s32 @p2 $0x1082  }
0x22: {  	[simem:s7], [sflag:s8] =	dma.local @!p0 [hbm:s6], $0xF7A  }
0x23: {  	s9 =	sor.u32 $0xD0000000, s2;
	s6 =	simm.s32 $0x108;
	_ =	swait.ge @!p0 [sflag:s8], $0x0  }
0x24: {  	s3 =	sadd.s32 $0x88, s3;
	s6 =	simm.s32 @!p1 $0x1082;
	[sflag:s4] =	ssyncset.s32 $0xFFFFF086  }
0x25: {  	[simem:s6], [sflag:s4] =	dma.local [hbm:s3], $0xF7A  }
0x26: {  	[smem:$0x3F8E] =	sst s1;
	(tag) =	ssettag s2;
	_ =	strace s9  }
0x27: {  	s1 =	sld [smem:$0x3F9E]  }
0x28: {  	s2 =	sld [smem:$0x3F9F]  }
0x29: {  	s4 =	sld [smem:$0x3FA1]  }
0x2a: {  	p0 =	seq.s32 s5, $0x0;
	s5 =	sld [smem:$0x3FA2]  }
0x2b: {  	s6 =	sld [smem:$0x3FA3]  }
0x2c: {  	s7 =	sld [smem:$0x3FA4]  }
0x2d: {  	s3 =	simm.s32 $0x108;
	s8 =	sld [smem:$0x3FA5]  }
0x2e: {  	s3 =	simm.s32 @!p0 $0x1082;
	s9 =	sld [smem:$0x3FA6]  }
0x2f: {  	lr =	sadd.s32 s0, s3;
	s0 =	sld [smem:$0x3F9D]  }
0x30: {  	s3 =	sld [smem:$0x3FA0]  }
0x31: {  	[smem:$0x3FA9] =	sst s10  }
0x32: {  	s10 =	sld [smem:$0x3FA7];
	_ =	sdelay $0x3  }
0x33: {  	p0 =	seq.s32 s10, $0x1;
	s10 =	sld [smem:$0x3FA9];
	_ =	sdelay $0x3  }
0x34: {  	[smem:$0x3FA9] =	sst s10  }
0x35: {  	s10 =	sld [smem:$0x3FA8];
	_ =	sdelay $0x3  }
0x36: {  	p1 =	seq.s32 s10, $0x1;
	s10 =	sld [smem:$0x3FA9];
	_ =	sdelay $0x3  }
0x37: {  	[smem:$0x3FA9] =	sst s10  }
0x38: {  	s10 =	sld [smem:$0x3FAA]  }
0x39: {  	_ = 	snop;
	(pc) =	sbr.ind lr, $3  }
0x3a: {  	_ = 	snop  }
0x3b: {  	_ = 	snop  }
0x3c: {  	p2 =	seq.s32 s10, $0x1;
	s10 =	sld [smem:$0x3FA9]  }
0x3d: {  	_ =	shalt  }
0x3e: {  	_ =	shalt  }
0x3f: {  	_ =	shalt  }
0x40: {  	_ =	shalt  }
0x41: {  	_ =	shalt  }
0x42: {  	_ =	shalt  }
0x43: {  	_ =	shalt  }
0x44: {  	_ =	shalt  }
0x45: {  	_ =	shalt  }
0x46: {  	_ =	shalt  }
0x47: {  	_ =	shalt  }
0x48: {  	_ =	shalt  }
0x49: {  	_ =	shalt  }
0x4a: {  	_ =	shalt  }
0x4b: {  	_ =	shalt  }
0x4c: {  	_ =	shalt  }
0x4d: {  	_ =	shalt  }
0x4e: {  	_ =	shalt  }
0x4f: {  	_ =	shalt  }
0x50: {  	_ =	shalt  }
0x51: {  	_ =	shalt  }
0x52: {  	_ =	shalt  }
0x53: {  	_ =	shalt  }
0x54: {  	_ =	shalt  }
0x55: {  	_ =	shalt  }
0x56: {  	_ =	shalt  }
0x57: {  	_ =	shalt  }
0x58: {  	_ =	shalt  }
0x59: {  	_ =	shalt  }
0x5a: {  	_ =	shalt  }
0x5b: {  	_ =	shalt  }
0x5c: {  	_ =	shalt  }
0x5d: {  	_ =	shalt  }
0x5e: {  	_ =	shalt  }
0x5f: {  	_ =	shalt  }
0x60: {  	_ =	shalt  }
0x61: {  	_ =	shalt  }
0x62: {  	_ =	shalt  }
0x63: {  	_ =	shalt  }
0x64: {  	_ =	shalt  }
0x65: {  	_ =	shalt  }
0x66: {  	_ =	shalt  }
0x67: {  	_ =	shalt  }
0x68: {  	_ =	shalt  }
0x69: {  	_ =	shalt  }
0x6a: {  	_ =	shalt  }
0x6b: {  	_ =	shalt  }
0x6c: {  	_ =	shalt  }
0x6d: {  	_ =	shalt  }
0x6e: {  	_ =	shalt  }
0x6f: {  	_ =	shalt  }
0x70: {  	_ =	shalt  }
0x71: {  	_ =	shalt  }
0x72: {  	_ =	shalt  }
0x73: {  	_ =	shalt  }
0x74: {  	_ =	shalt  }
0x75: {  	_ =	shalt  }
0x76: {  	_ =	shalt  }
0x77: {  	_ =	shalt  }
0x78: {  	_ =	shalt  }
0x79: {  	_ =	shalt  }
0x7a: {  	_ =	shalt  }
0x7b: {  	_ =	shalt  }
0x7c: {  	_ =	shalt  }
0x7d: {  	_ =	shalt  }
0x7e: {  	_ =	shalt  }
0x7f: {  	_ =	shalt  }
0x80: {  	_ =	shalt  }
0x81: {  	_ =	shalt  }
0x82: {  	_ =	shalt  }
0x83: {  	_ =	shalt  }
0x84: {  	_ =	shalt  }
0x85: {  	_ =	shalt  }
0x86: {  	_ =	shalt  }
0x87: {  	_ =	shalt  }
.Lfunc_end0:
.L_simem_size_0:
called_computation_lowered:
.L_overlay_start_0:
0x88: {  	s2 =	sld [smem:$0x3FD9]  }
0x89: {  	s3 =	sld [smem:$0x3FFE];
	_ =	sdelay $0x1  }
0x8a: {  	s1 =	srdreg.scid  }
0x8b: {  	s0 =	sand.u32 $0x1, s1  }
0x8c: {  	s17 =	sshll.u32 s0, $0xA;
	s2 =	sadd.s32 s3, s2  }
0x8d: {  	s2 =	sadd.s32 s2, s17  }
0x8e: {  	[smem:$0x3FB5] =	sst s2  }
0x8f: {  	_ = 	snop  }
0x90: {  	s2 =	sld [smem:$0x3FC8]  }
0x91: {  	s18 =	sld [smem:$0x3FC7]  }
0x92: {  	s4 =	sld [smem:$0x3FC6]  }
0x93: {  	s5 =	sld [smem:$0x3FD0];
	(tm) =	ssettm $0x1  }
0x94: {  	s6 =	sld [smem:$0x3FFB];
	_ =	sdelay $0x3  }
0x95: {  	_ =	strace s6  }
0x96: {  	s6 =	sld [smem:$0x3FFC];
	_ =	sdelay $0x3  }
0x97: {  	_ =	strace s6  }
0x98: {  	s6 =	sld [smem:$0x3FFD];
	_ =	sdelay $0x3  }
0x99: {  	_ =	strace s6  }
0x9a: {  	_ =	strace $0x8FFFFFFF  }
0x9b: {  	s19 =	sld [smem:$0x3FDB];
	_ =	sdelay $0x1  }
0x9c: {  	s7 =	simm.s32 $_scs_section_size  }
0x9d: {  	s8 =	simm.s32 $_size__tile_overlayer_lowered;
	s9 =	simm.s32 $_tile_overlayer_lowered  }
0x9e: {  	s22 =	simm.s32 $0x1BFF;
	s21 =	sshll.u32 s9, $0x1;
	s6 =	sadd.s32 s7, s19  }
0x9f: {  	s10 =	simm.s32 $0x0;
	s20 =	sshll.u32 s8, $0x1;
	s8 =	sadd.s32 s21, s6  }
0xa0: {  	[timem:s10], [sflag:s22] =	dma.local [hbm:s8], s20  }
0xa1: {  	_ =	swait.ge [sflag:s22], s20  }
0xa2: {  	s7 =	ssub.s32 $0x0, s20;
	[sflag:s22] =	ssyncset.done $0x0  }
0xa3: {  	[sflag:s22] =	ssyncadd.s32 s7;
	_ =	sdelay $0x1  }
0xa4: {  	s23 =	simm.s32 $0x1B8B  }
0xa5: {  	_ =	swait.ge [sflag:s23], $0x1  }
0xa6: {  	[sflag:s23] =	ssyncset.done $0x0  }
0xa7: {  	s25 =	simm.s32 $0x1B8E;
	s24 =	sld [smem:$0x3FFE];
	[sflag:s23] =	ssyncadd.s32 $0xFFFFFFFF  }
0xa8: {  	s26 =	simm.s32 $execute0_lowered;
	[smem:$0x3FD2] =	sst s25  }
0xa9: {  	s8 =	sshll.u32 s26, $0x1;
	_ =	strace $0x80000046;
	[dreg:$0x1] =	wrdreg $0xFFFFFFFF  }
0xaa: {  	s28 =	simm.s32 $_size_execute0_lowered;
	s6 =	sadd.s32 s6, s8;
	[dreg:$0x0] =	wrdreg $0x0  }
0xab: {  	s8 =	sshll.u32 s28, $0x1;
	[dreg:$0x2] =	wrdreg s6  }
0xac: {  	[dreg:$0x3] =	wrdreg s8  }
0xad: {  	[dreg:$0x4] =	wrdreg $0xC0  }
0xae: {  	_ =	task [dreg:s10], $0x5FFFF  }
0xaf: {  	[dreg:$0x1] =	wrdreg $0xFFFFFFFF  }
0xb0: {  	[dreg:$0x0] =	wrdreg $0x60  }
0xb1: {  	[dreg:$0x2] =	wrdreg s24  }
0xb2: {  	[dreg:$0x3] =	wrdreg s2  }
0xb3: {  	[dreg:$0x4] =	wrdreg s18  }
0xb4: {  	[dreg:$0x5] =	wrdreg s4  }
0xb5: {  	[dreg:$0x6] =	wrdreg s5  }
0xb6: {  	[dreg:$0x7] =	wrdreg $0x9  }
0xb7: {  	_ =	task.clear_ibuf [dreg:s10], $0x8FFFF;
	_ =	strace $0x90000046  }
0xb8: {  	s29 =	simm.s32 $0x9;
	_ =	strace $0x80000048  }
0xb9: {  	_ =	swait.ge [sflag:s29], $0x1  }
0xba: {  	[sflag:s29] =	ssyncadd.s32 $0xFFFFFFFF  }
0xbb: {  	_ =	strace $0x90000048  }
0xbc: {  	_ =	sfence  }
0xbd: {  	s30 =	sld [smem:$0x0];
	_ =	sdelay $0x2  }
0xbe: {  	s31 =	sshll.u32 s1, $0xD;
	s1 =	sshrl.u32 s1, $0x2  }
0xbf: {  	s3 =	sand.u32 $0x4000, s31;
	s1 =	sadd.s32 s1, s30  }
0xc0: {  	s0 =	sor.u32 s3, s0;
	s1 =	sshll.u32 s1, $0x11  }
0xc1: {  	s0 =	sor.u32 s1, s0  }
0xc2: {  	s0 =	sadd.s32 $0x8F2B, s0  }
0xc3: {  	[sflag:s0] =	ssyncadd.remote.s32 $0x1  }
0xc4: {  	_ =	sfence.sel $0xFFFF  }
0xc5: {  	[dreg:$0x0] =	wrdreg $0xFFFFFFFF;
	(pc) =	sbr.abs _section_cstart, $3  }
0xc6: {  	[dreg:$0x1] =	wrdreg $0xFFFFFFFF  }
0xc7: {  	_ =	task.clear_ibuf [dreg:s10], $0x2FFFF;
	_ =	strace $0x9FFFFFFF  }
0xc8: {  	(tm) =	ssettm $0x7FFFFFFF  }
0xc9: {  	_ =	shalt  }
tec
execute0_lowered:
.L_overlay_start_1:
0x0: {  	(tag) =	ssettag $0x1  }
0x1: {  	s0 =	rddreg [dreg:$0x0]  }
0x2: {  	s1 =	rddreg [dreg:$0x1]  }
0x3: {  	s2 =	rddreg [dreg:$0x2]  }
0x4: {  	s3 =	rddreg [dreg:$0x3]  }
0x5: {  	s4 =	srdreg.scid;
	s12 =	stileid.u32  }
0x6: {  	s8 =	rddreg [dreg:$0x4];
	s10 =	simm.s32 $0x0;
	s24 =	simm.s32 $0x2600  }
0x7: {  	s25 =	simm.s32 $0x4600;
	s26 =	simm.s32 $0x180;
	s28 =	simm.s32 $0x12600  }
0x8: {  	s29 =	simm.s32 $0x500;
	p0 =	por $0x0, $0x0;
	s30 =	simm.s32 $0x14600  }
0x9: {  	s31 =	simm.s32 $0x580;
	s11 =	simm.s32 $0x1;
	s9 =	simm.s32 $0x40  }
0xa: {  	s4 =	sand.u32 $0x1, s4;
	s5 =	sshll.u32 s12, $0x1;
	[smem:$0x7FF] =	sst s10  }
0xb: {  	s13 =	sadd.s32 $0x24DC00, s0;
	_ =	strace $0x80000047;
	[dreg:$0xe] =	wrdreg s24  }
0xc: {  	s5 =	sor.u32 s4, s5;
	s20 =	ssub.s32 $0x2, s4;
	[dreg:$0xf] =	wrdreg s25  }
0xd: {  	[dreg:$0x10] =	wrdreg s26;
	s24 =	simm.s32 $0x380;
	s25 =	simm.s32 $0xE600  }
0xe: {  	s26 =	simm.s32 $0x480;
	s6 =	sshll.u32 s5, $0x6;
	s7 =	sshll.u32 s5, $0xA  }
0xf: {  	s15 =	sshll.u32 s5, $0xE;
	s4 =	sshrl.u32 s20, $0x1;
	s5 =	simm.s32 $0x600  }
0x10: {  	s1 =	sadd.s32 s1, s6;
	s7 =	sadd.s32 s7, s0;
	s14 =	sadd.s32 s2, s6  }
0x11: {  	s16 =	sadd.s32 s3, s6;
	s2 =	sadd.s32 s15, s0;
	s23 =	ssub.s32 s20, s4  }
0x12: {  	s15 =	simm.s32 $0x400;
	s4 =	simm.s32 $0x18600;
	[dreg:$0x6] =	wrdreg s1  }
0x13: {  	s3 =	simm.s32 $0x100;
	s6 =	simm.s32 $0x8600;
	[dreg:$0x7] =	wrdreg s14  }
0x14: {  	s20 =	simm.s32 $0x280;
	[dreg:$0x8] =	wrdreg s16;
	s17 =	sadd.s32 $0x3C00, s7  }
0x15: {  	s18 =	sadd.s32 $0xBC00, s2;
	s19 =	sadd.s32 $0xBC02, s2;
	s21 =	sadd.s32 $0xBC0A, s2  }
0x16: {  	s14 =	sadd.s32 $0x18A600, s0;
	s0 =	smax.u32 s23, $0x1;
	[dreg:$0x9] =	wrdreg s17  }
0x17: {  	s22 =	sadd.s32 $0xBC12, s2;
	[dreg:$0xa] =	wrdreg s18;
	p1 =	sne.s32 s0, $0x1  }
.Ltmp0:
0x18: {  	s2 =	simm.s32 $0x2;
	[dreg:$0xb] =	wrdreg s19;
	(pc) =	sbr.rel @!p1 .LBB2_1-.Ltmp0, $4  }
0x19: {  	s16 =	simm.s32 $0x80;
	s23 =	simm.s32 $0xC600;
	[dreg:$0xc] =	wrdreg s21  }
0x1a: {  	s7 =	simm.s32 $0x10600;
	[dreg:$0xd] =	wrdreg s22;
	s17 =	simm.s32 $0x200  }
0x1b: {  	s21 =	simm.s32 $0xA600;
	s22 =	simm.s32 $0x300;
	s1 =	sadd.s32 $0xFFFFFFFF, s0  }
0x1c: {  	s19 =	simm.s32 $0x16600;
	s18 =	simm.s32 $0x10;
	s0 =	rddreg [dreg:$0x6]  }
0x1d: {  	[tilespmem:s10], [sflag:$0x2] =	stream.linear.gather [hbm4b:s0+s10], $0x200, $0x38;
	[tilespmem:$0x1A600] =	vst v63  }
0x1e: {  	_ =	swait.ge [sflag:s2], $0x200  }
0x1f: {  	[sflag:s2] =	ssyncset.done $0x0  }
0x20: {  	s12 =	rddreg [dreg:$0x7];
	[sflag:s2] =	ssyncadd.s32 $0xFFFFFE00  }
0x21: {  	[tilespmem:s17], [sflag:$0x2] =	stream.linear.gather [hbm4b:s12+s10], $0x200, $0x38;
	[tilespmem:$0x1A600] =	vst v63  }
0x22: {  	_ =	swait.ge [sflag:s2], $0x200  }
0x23: {  	[sflag:s2] =	ssyncset.done $0x0  }
0x24: {  	s12 =	rddreg [dreg:$0x8];
	[sflag:s2] =	ssyncadd.s32 $0xFFFFFE00  }
0x25: {  	[tilespmem:s15], [sflag:$0x2] =	stream.linear.gather [hbm4b:s12+s10], $0x200, $0x38;
	[tilespmem:$0x1A600] =	vst v63  }
0x26: {  	_ =	swait.ge [sflag:s2], $0x200  }
0x27: {  	[sflag:s2] =	ssyncset.done $0x0  }
0x28: {  	s12 =	rddreg [dreg:$0x9];
	[sflag:s2] =	ssyncadd.s32 $0xFFFFFE00  }
0x29: {  	[tilespmem:s4], [sflag:$0x2] =	stream.linear.gather [hbm4b:s12+s10], $0x2000, $0x38;
	[tilespmem:$0x1A600] =	vst v63  }
0x2a: {  	_ =	swait.ge [sflag:s2], $0x2000  }
0x2b: {  	[sflag:s2] =	ssyncset.done $0x0  }
0x2c: {  	[sflag:s2] =	ssyncadd.s32 $0xFFFFE000  }
0x2d: {  	[tilespmem:s5], [sflag:$0x1] =	stream.indirect.gather [hbm4b:s13+s16], $0x40, s10, s16, $0xb8;
	[tilespmem:$0x1A600] =	vst v63  }
0x2e: {  	s0 =	rddreg [dreg:$0xe]  }
0x2f: {  	[tilespmem:s0], [sflag:$0x1] =	stream.indirect.gather [hbm4b:s13+s16], $0x40, s16, s16, $0xb8;
	[tilespmem:$0x1A600] =	vst v63  }
0x30: {  	s12 =	smov.u32 s1;
	s1 =	rddreg [dreg:$0xf]  }
0x31: {  	[tilespmem:s1], [sflag:$0x1] =	stream.indirect.gather [hbm4b:s13+s16], $0x40, s3, s16, $0xb8;
	[tilespmem:$0x1A600] =	vst v63  }
0x32: {  	s0 =	rddreg [dreg:$0x10];
	s1 =	simm.s32 $0x6600  }
0x33: {  	[tilespmem:s1], [sflag:$0x1] =	stream.indirect.gather [hbm4b:s13+s16], $0x40, s0, s16, $0xb8;
	[tilespmem:$0x1A600] =	vst v63  }
0x34: {  	_ = 	snop  }
0x35: {  	[tilespmem:s6], [sflag:$0x1] =	stream.indirect.gather [hbm4b:s8+s16], $0x40, s17, s16, $0xb8;
	[tilespmem:$0x1A600] =	vst v63  }
0x36: {  	_ = 	snop  }
0x37: {  	[tilespmem:s21], [sflag:$0x1] =	stream.indirect.gather [hbm4b:s8+s16], $0x40, s20, s16, $0xb8;
	[tilespmem:$0x1A600] =	vst v63  }
0x38: {  	_ = 	snop  }
0x39: {  	[tilespmem:s23], [sflag:$0x1] =	stream.indirect.gather [hbm4b:s8+s16], $0x40, s22, s16, $0xb8;
	[tilespmem:$0x1A600] =	vst v63  }
0x3a: {  	_ = 	snop  }
0x3b: {  	[tilespmem:s25], [sflag:$0x1] =	stream.indirect.gather [hbm4b:s8+s16], $0x40, s24, s16, $0xb8;
	[tilespmem:$0x1A600] =	vst v63  }
0x3c: {  	_ = 	snop  }
0x3d: {  	[tilespmem:s7], [sflag:$0x1] =	stream.indirect.gather [hbm4b:s14+s16], $0x40, s15, s16, $0xb8;
	[tilespmem:$0x1A600] =	vst v63  }
0x3e: {  	_ = 	snop  }
0x3f: {  	[tilespmem:s28], [sflag:$0x1] =	stream.indirect.gather [hbm4b:s14+s16], $0x40, s26, s16, $0xb8;
	[tilespmem:$0x1A600] =	vst v63  }
0x40: {  	_ = 	snop  }
0x41: {  	[tilespmem:s30], [sflag:$0x1] =	stream.indirect.gather [hbm4b:s14+s16], $0x40, s29, s16, $0xb8;
	[tilespmem:$0x1A600] =	vst v63  }
0x42: {  	_ = 	snop  }
0x43: {  	[tilespmem:s19], [sflag:$0x1] =	stream.indirect.gather [hbm4b:s14+s16], $0x40, s31, s16, $0xb8;
	[tilespmem:$0x1A600] =	vst v63  }
0x44: {  	_ =	swait.ge [sflag:s11], $0x2000  }
0x45: {  	[sflag:s11] =	ssyncset.done $0x0  }
0x46: {  	[sflag:s11] =	ssyncadd.s32 $0xFFFFE000  }
0x47: {  	_ =	swait.ge [sflag:s11], $0x2000  }
0x48: {  	[sflag:s11] =	ssyncset.done $0x0  }
0x49: {  	[sflag:s11] =	ssyncadd.s32 $0xFFFFE000  }
0x4a: {  	_ =	swait.ge [sflag:s11], $0x2000  }
0x4b: {  	[sflag:s11] =	ssyncset.done $0x0  }
0x4c: {  	[sflag:s11] =	ssyncadd.s32 $0xFFFFE000  }
0x4d: {  	_ =	swait.ge [sflag:s11], $0x2000  }
0x4e: {  	[sflag:s11] =	ssyncset.done $0x0  }
0x4f: {  	[sflag:s11] =	ssyncadd.s32 $0xFFFFE000  }
0x50: {  	_ =	swait.ge [sflag:s11], $0x2000  }
0x51: {  	[sflag:s11] =	ssyncset.done $0x0  }
0x52: {  	[sflag:s11] =	ssyncadd.s32 $0xFFFFE000  }
0x53: {  	_ =	swait.ge [sflag:s11], $0x2000  }
0x54: {  	[sflag:s11] =	ssyncset.done $0x0  }
0x55: {  	[sflag:s11] =	ssyncadd.s32 $0xFFFFE000  }
0x56: {  	_ =	swait.ge [sflag:s11], $0x2000  }
0x57: {  	[sflag:s11] =	ssyncset.done $0x0  }
0x58: {  	[sflag:s11] =	ssyncadd.s32 $0xFFFFE000  }
0x59: {  	_ =	swait.ge [sflag:s11], $0x2000  }
0x5a: {  	[sflag:s11] =	ssyncset.done $0x0  }
0x5b: {  	[sflag:s11] =	ssyncadd.s32 $0xFFFFE000  }
0x5c: {  	_ =	swait.ge [sflag:s11], $0x2000  }
0x5d: {  	[sflag:s11] =	ssyncset.done $0x0  }
0x5e: {  	[sflag:s11] =	ssyncadd.s32 $0xFFFFE000  }
0x5f: {  	_ =	swait.ge [sflag:s11], $0x2000  }
0x60: {  	[sflag:s11] =	ssyncset.done $0x0  }
0x61: {  	[sflag:s11] =	ssyncadd.s32 $0xFFFFE000  }
0x62: {  	_ =	swait.ge [sflag:s11], $0x2000  }
0x63: {  	[sflag:s11] =	ssyncset.done $0x0  }
0x64: {  	[sflag:s11] =	ssyncadd.s32 $0xFFFFE000  }
0x65: {  	_ =	swait.ge [sflag:s11], $0x2000  }
0x66: {  	[sflag:s11] =	ssyncset.done $0x0  }
0x67: {  	s1 =	rddreg [dreg:$0xa];
	[sflag:s11] =	ssyncadd.s32 $0xFFFFE000  }
0x68: {  	[hbm4b:s1+s18] =	stream.strided.scatter [tilespmem:s4], [sflag:$0x2], $0x2000, s3, s18, $0x38;
	[tilespmem:$0x1A600] =	vst v63  }
0x69: {  	_ =	swait.ge [sflag:s2], $0x2000  }
0x6a: {  	[sflag:s2] =	ssyncset.done $0x0  }
0x6b: {  	s1 =	rddreg [dreg:$0xb];
	[sflag:s2] =	ssyncadd.s32 $0xFFFFE000  }
0x6c: {  	[hbm4b:s1+s9] =	stream.strided.scatter [tilespmem:s5], [sflag:$0x2], $0x8000, s3, s9, $0x38;
	[tilespmem:$0x1A600] =	vst v63  }
0x6d: {  	_ =	swait.ge [sflag:s2], $0x8000  }
0x6e: {  	[sflag:s2] =	ssyncset.done $0x0  }
0x6f: {  	s1 =	rddreg [dreg:$0xc];
	[sflag:s2] =	ssyncadd.s32 $0xFFFF8000  }
0x70: {  	[hbm4b:s1+s9] =	stream.strided.scatter [tilespmem:s6], [sflag:$0x2], $0x8000, s3, s9, $0x38;
	[tilespmem:$0x1A600] =	vst v63  }
0x71: {  	p1 =	sne.s32 s12, $0x1;
	_ =	swait.ge [sflag:s2], $0x8000  }
.Ltmp1:
0x72: {  	[sflag:s2] =	ssyncset.done $0x0;
	(pc) =	sbr.rel @!p1 .LBB2_3-.Ltmp1, $4  }
0x73: {  	s1 =	rddreg [dreg:$0xd];
	[sflag:s2] =	ssyncadd.s32 $0xFFFF8000  }
0x74: {  	[hbm4b:s1+s9] =	stream.strided.scatter [tilespmem:s7], [sflag:$0x2], $0x8000, s3, s9, $0x38;
	[tilespmem:$0x1A600] =	vst v63  }
0x75: {  	p0 =	por $0x1, $0x1;
	_ =	swait.ge [sflag:s2], $0x8000  }
0x76: {  	s1 =	sadd.s32 $0xFFFFFFFF, s12;
	s0 =	rddreg [dreg:$0x6];
	[sflag:s2] =	ssyncset.done $0x0  }
.LBB2_4:
0x77: {  	[sflag:s2] =	ssyncadd.s32 $0xFFFF8000  }
0x78: {  	[tilespmem:s10], [sflag:$0x2] =	stream.linear.gather [hbm4b:s0+s10], $0x200, $0x38;
	[tilespmem:$0x1A600] =	vst v63  }
0x79: {  	_ =	swait.ge [sflag:s2], $0x200  }
0x7a: {  	[sflag:s2] =	ssyncset.done $0x0  }
0x7b: {  	s12 =	rddreg [dreg:$0x7];
	[sflag:s2] =	ssyncadd.s32 $0xFFFFFE00  }
0x7c: {  	[tilespmem:s17], [sflag:$0x2] =	stream.linear.gather [hbm4b:s12+s10], $0x200, $0x38;
	[tilespmem:$0x1A600] =	vst v63  }
0x7d: {  	_ =	swait.ge [sflag:s2], $0x200  }
0x7e: {  	[sflag:s2] =	ssyncset.done $0x0  }
0x7f: {  	s12 =	rddreg [dreg:$0x8];
	[sflag:s2] =	ssyncadd.s32 $0xFFFFFE00  }
0x80: {  	[tilespmem:s15], [sflag:$0x2] =	stream.linear.gather [hbm4b:s12+s10], $0x200, $0x38;
	[tilespmem:$0x1A600] =	vst v63  }
0x81: {  	_ =	swait.ge [sflag:s2], $0x200  }
0x82: {  	[sflag:s2] =	ssyncset.done $0x0  }
0x83: {  	s12 =	rddreg [dreg:$0x9];
	[sflag:s2] =	ssyncadd.s32 $0xFFFFFE00  }
0x84: {  	[tilespmem:s4], [sflag:$0x2] =	stream.linear.gather [hbm4b:s12+s10], $0x2000, $0x38;
	[tilespmem:$0x1A600] =	vst v63  }
0x85: {  	_ =	swait.ge [sflag:s2], $0x2000  }
0x86: {  	[sflag:s2] =	ssyncset.done $0x0  }
0x87: {  	[sflag:s2] =	ssyncadd.s32 $0xFFFFE000  }
0x88: {  	[tilespmem:s5], [sflag:$0x1] =	stream.indirect.gather [hbm4b:s13+s16], $0x40, s10, s16, $0xb8;
	[tilespmem:$0x1A600] =	vst v63  }
0x89: {  	s0 =	rddreg [dreg:$0xe]  }
0x8a: {  	[tilespmem:s0], [sflag:$0x1] =	stream.indirect.gather [hbm4b:s13+s16], $0x40, s16, s16, $0xb8;
	[tilespmem:$0x1A600] =	vst v63  }
0x8b: {  	s12 =	rddreg [dreg:$0xf]  }
0x8c: {  	[tilespmem:s12], [sflag:$0x1] =	stream.indirect.gather [hbm4b:s13+s16], $0x40, s3, s16, $0xb8;
	[tilespmem:$0x1A600] =	vst v63  }
0x8d: {  	s0 =	rddreg [dreg:$0x10];
	s12 =	simm.s32 $0x6600  }
0x8e: {  	[tilespmem:s12], [sflag:$0x1] =	stream.indirect.gather [hbm4b:s13+s16], $0x40, s0, s16, $0xb8;
	[tilespmem:$0x1A600] =	vst v63  }
0x8f: {  	_ = 	snop  }
0x90: {  	[tilespmem:s6], [sflag:$0x1] =	stream.indirect.gather [hbm4b:s8+s16], $0x40, s17, s16, $0xb8;
	[tilespmem:$0x1A600] =	vst v63  }
0x91: {  	_ = 	snop  }
0x92: {  	[tilespmem:s21], [sflag:$0x1] =	stream.indirect.gather [hbm4b:s8+s16], $0x40, s20, s16, $0xb8;
	[tilespmem:$0x1A600] =	vst v63  }
0x93: {  	_ = 	snop  }
0x94: {  	[tilespmem:s23], [sflag:$0x1] =	stream.indirect.gather [hbm4b:s8+s16], $0x40, s22, s16, $0xb8;
	[tilespmem:$0x1A600] =	vst v63  }
0x95: {  	_ = 	snop  }
0x96: {  	[tilespmem:s25], [sflag:$0x1] =	stream.indirect.gather [hbm4b:s8+s16], $0x40, s24, s16, $0xb8;
	[tilespmem:$0x1A600] =	vst v63  }
0x97: {  	_ = 	snop  }
0x98: {  	[tilespmem:s7], [sflag:$0x1] =	stream.indirect.gather [hbm4b:s14+s16], $0x40, s15, s16, $0xb8;
	[tilespmem:$0x1A600] =	vst v63  }
0x99: {  	_ = 	snop  }
0x9a: {  	[tilespmem:s28], [sflag:$0x1] =	stream.indirect.gather [hbm4b:s14+s16], $0x40, s26, s16, $0xb8;
	[tilespmem:$0x1A600] =	vst v63  }
0x9b: {  	_ = 	snop  }
0x9c: {  	[tilespmem:s30], [sflag:$0x1] =	stream.indirect.gather [hbm4b:s14+s16], $0x40, s29, s16, $0xb8;
	[tilespmem:$0x1A600] =	vst v63  }
0x9d: {  	_ = 	snop  }
0x9e: {  	[tilespmem:s19], [sflag:$0x1] =	stream.indirect.gather [hbm4b:s14+s16], $0x40, s31, s16, $0xb8;
	[tilespmem:$0x1A600] =	vst v63  }
0x9f: {  	_ =	swait.ge [sflag:s11], $0x2000  }
0xa0: {  	[sflag:s11] =	ssyncset.done $0x0  }
0xa1: {  	[sflag:s11] =	ssyncadd.s32 $0xFFFFE000  }
0xa2: {  	_ =	swait.ge [sflag:s11], $0x2000  }
0xa3: {  	[sflag:s11] =	ssyncset.done $0x0  }
0xa4: {  	[sflag:s11] =	ssyncadd.s32 $0xFFFFE000  }
0xa5: {  	_ =	swait.ge [sflag:s11], $0x2000  }
0xa6: {  	[sflag:s11] =	ssyncset.done $0x0  }
0xa7: {  	[sflag:s11] =	ssyncadd.s32 $0xFFFFE000  }
0xa8: {  	_ =	swait.ge [sflag:s11], $0x2000  }
0xa9: {  	[sflag:s11] =	ssyncset.done $0x0  }
0xaa: {  	[sflag:s11] =	ssyncadd.s32 $0xFFFFE000  }
0xab: {  	_ =	swait.ge [sflag:s11], $0x2000  }
0xac: {  	[sflag:s11] =	ssyncset.done $0x0  }
0xad: {  	[sflag:s11] =	ssyncadd.s32 $0xFFFFE000  }
0xae: {  	_ =	swait.ge [sflag:s11], $0x2000  }
0xaf: {  	[sflag:s11] =	ssyncset.done $0x0  }
0xb0: {  	[sflag:s11] =	ssyncadd.s32 $0xFFFFE000  }
0xb1: {  	_ =	swait.ge [sflag:s11], $0x2000  }
0xb2: {  	[sflag:s11] =	ssyncset.done $0x0  }
0xb3: {  	[sflag:s11] =	ssyncadd.s32 $0xFFFFE000  }
0xb4: {  	_ =	swait.ge [sflag:s11], $0x2000  }
0xb5: {  	[sflag:s11] =	ssyncset.done $0x0  }
0xb6: {  	[sflag:s11] =	ssyncadd.s32 $0xFFFFE000  }
0xb7: {  	_ =	swait.ge [sflag:s11], $0x2000  }
0xb8: {  	[sflag:s11] =	ssyncset.done $0x0  }
0xb9: {  	[sflag:s11] =	ssyncadd.s32 $0xFFFFE000  }
0xba: {  	_ =	swait.ge [sflag:s11], $0x2000  }
0xbb: {  	[sflag:s11] =	ssyncset.done $0x0  }
0xbc: {  	[sflag:s11] =	ssyncadd.s32 $0xFFFFE000  }
0xbd: {  	_ =	swait.ge [sflag:s11], $0x2000  }
0xbe: {  	[sflag:s11] =	ssyncset.done $0x0  }
0xbf: {  	[sflag:s11] =	ssyncadd.s32 $0xFFFFE000  }
0xc0: {  	_ =	swait.ge [sflag:s11], $0x2000  }
0xc1: {  	[sflag:s11] =	ssyncset.done $0x0  }
0xc2: {  	s12 =	rddreg [dreg:$0xa];
	[sflag:s11] =	ssyncadd.s32 $0xFFFFE000  }
0xc3: {  	[hbm4b:s12+s18] =	stream.strided.scatter [tilespmem:s4], [sflag:$0x2], $0x2000, s3, s18, $0x38;
	[tilespmem:$0x1A600] =	vst v63  }
0xc4: {  	_ =	swait.ge [sflag:s2], $0x2000  }
0xc5: {  	[sflag:s2] =	ssyncset.done $0x0  }
0xc6: {  	s12 =	rddreg [dreg:$0xb];
	[sflag:s2] =	ssyncadd.s32 $0xFFFFE000  }
0xc7: {  	[hbm4b:s12+s9] =	stream.strided.scatter [tilespmem:s5], [sflag:$0x2], $0x8000, s3, s9, $0x38;
	[tilespmem:$0x1A600] =	vst v63  }
0xc8: {  	_ =	swait.ge [sflag:s2], $0x8000  }
0xc9: {  	[sflag:s2] =	ssyncset.done $0x0  }
0xca: {  	s12 =	rddreg [dreg:$0xc];
	[sflag:s2] =	ssyncadd.s32 $0xFFFF8000  }
0xcb: {  	[hbm4b:s12+s9] =	stream.strided.scatter [tilespmem:s6], [sflag:$0x2], $0x8000, s3, s9, $0x38;
	[tilespmem:$0x1A600] =	vst v63  }
0xcc: {  	p1 =	sne.s32 s1, $0x1;
	_ =	swait.ge [sflag:s2], $0x8000  }
.Ltmp2:
0xcd: {  	[sflag:s2] =	ssyncset.done $0x0;
	(pc) =	sbr.rel @p1 .LBB2_4-.Ltmp2, $4  }
0xce: {  	s12 =	rddreg [dreg:$0xd];
	[sflag:s2] =	ssyncadd.s32 $0xFFFF8000  }
0xcf: {  	[hbm4b:s12+s9] =	stream.strided.scatter [tilespmem:s7], [sflag:$0x2], $0x8000, s3, s9, $0x38;
	[tilespmem:$0x1A600] =	vst v63  }
0xd0: {  	_ =	swait.ge [sflag:s2], $0x8000  }
0xd1: {  	s1 =	sadd.s32 $0xFFFFFFFF, s1;
	s0 =	rddreg [dreg:$0x6];
	[sflag:s2] =	ssyncset.done $0x0  }
0xd2: {  	s18 =	simm.s32 $0x16600;
	s31 =	simm.s32 $0x580  }
0xd3: {  	s30 =	simm.s32 $0x14600;
	s29 =	simm.s32 $0x500;
	s28 =	simm.s32 $0x12600  }
0xd4: {  	s26 =	simm.s32 $0x480;
	s25 =	simm.s32 $0xE600;
	s24 =	simm.s32 $0x380  }
0xd5: {  	s23 =	simm.s32 $0xC600;
	s22 =	simm.s32 $0x300;
	s21 =	simm.s32 $0xA600  }
0xd6: {  	s20 =	simm.s32 $0x280;
	s19 =	simm.s32 $0x6600;
	s12 =	stileid.u32  }
.LBB2_6:
0xd7: {  	[sflag:s2] =	ssyncadd.s32 @p0 $0xFFFF8000  }
0xd8: {  	[tilespmem:s10], [sflag:$0x2] =	stream.linear.gather [hbm4b:s0+s10], $0x200, $0x38;
	[tilespmem:$0x1A600] =	vst v63  }
0xd9: {  	_ =	swait.ge [sflag:s2], $0x200  }
0xda: {  	[sflag:s2] =	ssyncset.done $0x0  }
0xdb: {  	s1 =	rddreg [dreg:$0x7];
	[sflag:s2] =	ssyncadd.s32 $0xFFFFFE00  }
0xdc: {  	[tilespmem:s17], [sflag:$0x2] =	stream.linear.gather [hbm4b:s1+s10], $0x200, $0x38;
	[tilespmem:$0x1A600] =	vst v63  }
0xdd: {  	_ =	swait.ge [sflag:s2], $0x200  }
0xde: {  	[sflag:s2] =	ssyncset.done $0x0  }
0xdf: {  	s1 =	rddreg [dreg:$0x8];
	[sflag:s2] =	ssyncadd.s32 $0xFFFFFE00  }
0xe0: {  	[tilespmem:s15], [sflag:$0x2] =	stream.linear.gather [hbm4b:s1+s10], $0x200, $0x38;
	[tilespmem:$0x1A600] =	vst v63  }
0xe1: {  	_ =	swait.ge [sflag:s2], $0x200  }
0xe2: {  	[sflag:s2] =	ssyncset.done $0x0  }
0xe3: {  	s1 =	rddreg [dreg:$0x9];
	[sflag:s2] =	ssyncadd.s32 $0xFFFFFE00  }
0xe4: {  	[tilespmem:s4], [sflag:$0x2] =	stream.linear.gather [hbm4b:s1+s10], $0x2000, $0x38;
	[tilespmem:$0x1A600] =	vst v63  }
0xe5: {  	_ =	swait.ge [sflag:s2], $0x2000  }
0xe6: {  	[sflag:s2] =	ssyncset.done $0x0  }
0xe7: {  	[sflag:s2] =	ssyncadd.s32 $0xFFFFE000  }
0xe8: {  	[tilespmem:s5], [sflag:$0x1] =	stream.indirect.gather [hbm4b:s13+s16], $0x40, s10, s16, $0xb8;
	[tilespmem:$0x1A600] =	vst v63  }
0xe9: {  	s0 =	rddreg [dreg:$0xe]  }
0xea: {  	[tilespmem:s0], [sflag:$0x1] =	stream.indirect.gather [hbm4b:s13+s16], $0x40, s16, s16, $0xb8;
	[tilespmem:$0x1A600] =	vst v63  }
0xeb: {  	s1 =	rddreg [dreg:$0xf]  }
0xec: {  	[tilespmem:s1], [sflag:$0x1] =	stream.indirect.gather [hbm4b:s13+s16], $0x40, s3, s16, $0xb8;
	[tilespmem:$0x1A600] =	vst v63  }
0xed: {  	s10 =	rddreg [dreg:$0x10]  }
0xee: {  	[tilespmem:s19], [sflag:$0x1] =	stream.indirect.gather [hbm4b:s13+s16], $0x40, s10, s16, $0xb8;
	[tilespmem:$0x1A600] =	vst v63  }
0xef: {  	_ = 	snop  }
0xf0: {  	[tilespmem:s6], [sflag:$0x1] =	stream.indirect.gather [hbm4b:s8+s16], $0x40, s17, s16, $0xb8;
	[tilespmem:$0x1A600] =	vst v63  }
0xf1: {  	_ = 	snop  }
0xf2: {  	[tilespmem:s21], [sflag:$0x1] =	stream.indirect.gather [hbm4b:s8+s16], $0x40, s20, s16, $0xb8;
	[tilespmem:$0x1A600] =	vst v63  }
0xf3: {  	_ = 	snop  }
0xf4: {  	[tilespmem:s23], [sflag:$0x1] =	stream.indirect.gather [hbm4b:s8+s16], $0x40, s22, s16, $0xb8;
	[tilespmem:$0x1A600] =	vst v63  }
0xf5: {  	_ = 	snop  }
0xf6: {  	[tilespmem:s25], [sflag:$0x1] =	stream.indirect.gather [hbm4b:s8+s16], $0x40, s24, s16, $0xb8;
	[tilespmem:$0x1A600] =	vst v63  }
0xf7: {  	_ = 	snop  }
0xf8: {  	[tilespmem:s7], [sflag:$0x1] =	stream.indirect.gather [hbm4b:s14+s16], $0x40, s15, s16, $0xb8;
	[tilespmem:$0x1A600] =	vst v63  }
0xf9: {  	_ = 	snop  }
0xfa: {  	[tilespmem:s28], [sflag:$0x1] =	stream.indirect.gather [hbm4b:s14+s16], $0x40, s26, s16, $0xb8;
	[tilespmem:$0x1A600] =	vst v63  }
0xfb: {  	_ = 	snop  }
0xfc: {  	[tilespmem:s30], [sflag:$0x1] =	stream.indirect.gather [hbm4b:s14+s16], $0x40, s29, s16, $0xb8;
	[tilespmem:$0x1A600] =	vst v63  }
0xfd: {  	_ = 	snop  }
0xfe: {  	[tilespmem:s18], [sflag:$0x1] =	stream.indirect.gather [hbm4b:s14+s16], $0x40, s31, s16, $0xb8;
	[tilespmem:$0x1A600] =	vst v63  }
0xff: {  	_ =	swait.ge [sflag:s11], $0x2000  }
0x100: {  	[sflag:s11] =	ssyncset.done $0x0  }
0x101: {  	[sflag:s11] =	ssyncadd.s32 $0xFFFFE000  }
0x102: {  	_ =	swait.ge [sflag:s11], $0x2000  }
0x103: {  	[sflag:s11] =	ssyncset.done $0x0  }
0x104: {  	[sflag:s11] =	ssyncadd.s32 $0xFFFFE000  }
0x105: {  	_ =	swait.ge [sflag:s11], $0x2000  }
0x106: {  	[sflag:s11] =	ssyncset.done $0x0  }
0x107: {  	[sflag:s11] =	ssyncadd.s32 $0xFFFFE000  }
0x108: {  	_ =	swait.ge [sflag:s11], $0x2000  }
0x109: {  	[sflag:s11] =	ssyncset.done $0x0  }
0x10a: {  	[sflag:s11] =	ssyncadd.s32 $0xFFFFE000  }
0x10b: {  	_ =	swait.ge [sflag:s11], $0x2000  }
0x10c: {  	[sflag:s11] =	ssyncset.done $0x0  }
0x10d: {  	[sflag:s11] =	ssyncadd.s32 $0xFFFFE000  }
0x10e: {  	_ =	swait.ge [sflag:s11], $0x2000  }
0x10f: {  	[sflag:s11] =	ssyncset.done $0x0  }
0x110: {  	[sflag:s11] =	ssyncadd.s32 $0xFFFFE000  }
0x111: {  	_ =	swait.ge [sflag:s11], $0x2000  }
0x112: {  	[sflag:s11] =	ssyncset.done $0x0  }
0x113: {  	[sflag:s11] =	ssyncadd.s32 $0xFFFFE000  }
0x114: {  	_ =	swait.ge [sflag:s11], $0x2000  }
0x115: {  	[sflag:s11] =	ssyncset.done $0x0  }
0x116: {  	[sflag:s11] =	ssyncadd.s32 $0xFFFFE000  }
0x117: {  	_ =	swait.ge [sflag:s11], $0x2000  }
0x118: {  	[sflag:s11] =	ssyncset.done $0x0  }
0x119: {  	[sflag:s11] =	ssyncadd.s32 $0xFFFFE000  }
0x11a: {  	_ =	swait.ge [sflag:s11], $0x2000  }
0x11b: {  	[sflag:s11] =	ssyncset.done $0x0  }
0x11c: {  	[sflag:s11] =	ssyncadd.s32 $0xFFFFE000  }
0x11d: {  	_ =	swait.ge [sflag:s11], $0x2000  }
0x11e: {  	[sflag:s11] =	ssyncset.done $0x0  }
0x11f: {  	[sflag:s11] =	ssyncadd.s32 $0xFFFFE000  }
0x120: {  	_ =	swait.ge [sflag:s11], $0x2000  }
0x121: {  	[sflag:s11] =	ssyncset.done $0x0  }
0x122: {  	s28 =	simm.s32 $0x10;
	s26 =	rddreg [dreg:$0xa];
	[sflag:s11] =	ssyncadd.s32 $0xFFFFE000  }
0x123: {  	[hbm4b:s26+s28] =	stream.strided.scatter [tilespmem:s4], [sflag:$0x2], $0x2000, s3, s28, $0x38;
	[tilespmem:$0x1A600] =	vst v63  }
0x124: {  	_ =	swait.ge [sflag:s2], $0x2000  }
0x125: {  	[sflag:s2] =	ssyncset.done $0x0  }
0x126: {  	s29 =	rddreg [dreg:$0xb];
	[sflag:s2] =	ssyncadd.s32 $0xFFFFE000  }
0x127: {  	[hbm4b:s29+s9] =	stream.strided.scatter [tilespmem:s5], [sflag:$0x2], $0x8000, s3, s9, $0x38;
	[tilespmem:$0x1A600] =	vst v63  }
0x128: {  	_ =	swait.ge [sflag:s2], $0x8000  }
0x129: {  	[sflag:s2] =	ssyncset.done $0x0  }
0x12a: {  	s30 =	rddreg [dreg:$0xc];
	[sflag:s2] =	ssyncadd.s32 $0xFFFF8000  }
0x12b: {  	[hbm4b:s30+s9] =	stream.strided.scatter [tilespmem:s6], [sflag:$0x2], $0x8000, s3, s9, $0x38;
	[tilespmem:$0x1A600] =	vst v63  }
0x12c: {  	_ =	swait.ge [sflag:s2], $0x8000  }
0x12d: {  	[sflag:s2] =	ssyncset.done $0x0  }
0x12e: {  	s31 =	rddreg [dreg:$0xd];
	[sflag:s2] =	ssyncadd.s32 $0xFFFF8000  }
0x12f: {  	[hbm4b:s31+s9] =	stream.strided.scatter [tilespmem:s7], [sflag:$0x2], $0x8000, s3, s9, $0x38;
	[tilespmem:$0x1A600] =	vst v63  }
0x130: {  	_ =	swait.ge [sflag:s2], $0x8000  }
0x131: {  	[sflag:s2] =	ssyncset.done $0x0  }
0x132: {  	[sflag:s2] =	ssyncadd.s32 $0xFFFF8000  }
0x133: {  	_ =	sfence.sel $0x180000  }
0x134: {  	[bflag:$0x0] =	sbarrier.arrive $0xFFFF  }
0x135: {  	_ =	strace $0x90000047  }
0x136: {  	[bflag:$0x2] =	sbarrier.arrive $0xFFFF  }
0x137: {  	p0 =	sne.s32 s12, $0x0;
	s0 =	rddreg [dreg:$0x5]  }
0x138: {  	s0 =	sadd.s32 @!p0 $0x100000, s0  }
0x139: {  	[sflag:s0] =	ssyncadd.tile.s32 @!p0 $0x1;
	_ =	shalt  }
.LBB2_1:
.Ltmp3:
0x13a: {  	s18 =	simm.s32 $0x16600;
	(pc) =	sbr.rel .LBB2_6-.Ltmp3, $4  }
0x13b: {  	s31 =	simm.s32 $0x580;
	s30 =	simm.s32 $0x14600;
	s29 =	simm.s32 $0x500  }
0x13c: {  	s28 =	simm.s32 $0x12600;
	s26 =	simm.s32 $0x480;
	s25 =	simm.s32 $0xE600  }
0x13d: {  	s24 =	simm.s32 $0x380;
	s23 =	simm.s32 $0xC600;
	s22 =	simm.s32 $0x300  }
0x13e: {  	s21 =	simm.s32 $0xA600;
	s20 =	simm.s32 $0x280;
	s19 =	simm.s32 $0x6600  }
.LBB2_3:
.Ltmp4:
0x13f: {  	s18 =	simm.s32 $0x16600;
	s31 =	simm.s32 $0x580;
	(pc) =	sbr.rel .LBB2_6-.Ltmp4, $4  }
0x140: {  	s30 =	simm.s32 $0x14600;
	s29 =	simm.s32 $0x500;
	s28 =	simm.s32 $0x12600  }
0x141: {  	s26 =	simm.s32 $0x480;
	s25 =	simm.s32 $0xE600;
	s24 =	simm.s32 $0x380  }
0x142: {  	s23 =	simm.s32 $0xC600;
	s22 =	simm.s32 $0x300;
	s21 =	simm.s32 $0xA600  }
0x143: {  	s20 =	simm.s32 $0x280;
	s19 =	simm.s32 $0x6600;
	s12 =	stileid.u32  }
.Lfunc_end2:
_tile_overlayer_lowered:
.L_overlay_start_2:
0x144: {  	(tag) =	ssettag $0x2  }
0x145: {  	s0 =	rddreg [dreg:$0x0];
	s2 =	stileid.u32  }
0x146: {  	s1 =	rddreg [dreg:$0x1];
	p0 =	sne.s32 s2, $0x0  }
0x147: {  	s3 =	rddreg [dreg:$0x2];
	[bflag:$0x3] =	sbarrier.arrive $0xFFFF;
	s2 =	simm.s32 @!p0 $0x1C02  }
0x148: {  	[timem:s3], [sflag:s2] =	dma.local @!p0 [hbm:s0], s1  }
0x149: {  	s0 =	simm.s32 @!p0 $0x2  }
0x14a: {  	_ =	swait.ge @!p0 [sflag:s0], s1  }
0x14b: {  	s1 =	ssub.s32 @!p0 $0x0, s1;
	[sflag:s0] =	ssyncset.done @!p0 $0x0  }
0x14c: {  	[sflag:s0] =	ssyncadd.s32 @!p0 s1  }
0x14d: {  	[bflag:$0x3] =	sbarrier.arrive $0xFFFF  }
0x14e: {  	_ =	shalt  }

</sc_bundles>
